<compile_context>
chip_gen: v7x
topology: tpu7x:2x2x1
jax: 0.10.2.dev20260603
libtpu: 0.0.44.dev20260713+nightly
codegen_flags: <defaults>
</compile_context>

<pallas_src>
import functools

import jax
import jax.numpy as jnp
from jax import lax
from jax.experimental import pallas as pl
from jax.experimental.pallas import tpu as pltpu
from jax.experimental.pallas import tpu_sc as plsc

N_NODES = 10000
N_EDGES = 320000
D = 128
NS = 16
N_PAD = 10240
NODE_ROWS_PER_TILE = N_PAD // NS
E_CHUNK = N_PAD // NS
RQ = 64
RPT = 160
CH = 40
NCH = RPT // CH
NBUF = 4
E_PADDED = 2 * NS * RPT * RQ
EROWS = E_PADDED // RQ
EROWS_PER_CORE = EROWS // 2


def _sc_partials(g, src2d, dst2d, e2d, zrows, zeros_e):
    mesh = plsc.VectorSubcoreMesh(core_axis_name="c", subcore_axis_name="s")

    @functools.partial(
        pl.kernel,
        mesh=mesh,
        out_type=[
            jax.ShapeDtypeStruct((2, N_PAD, D), jnp.float32),
            jax.ShapeDtypeStruct((2, N_PAD), jnp.float32),
        ],
        scratch_types=[
            pltpu.VMEM_SHARED((N_PAD, D), jnp.float32),
            pltpu.VMEM_SHARED((N_PAD,), jnp.float32),
            pltpu.VMEM((CH, RQ), jnp.int32),
            pltpu.VMEM((CH, RQ), jnp.int32),
            pltpu.VMEM((CH, RQ), jnp.float32),
            pltpu.VMEM((RQ, D), jnp.float32),
            pltpu.VMEM((RQ, D), jnp.float32),
            pltpu.VMEM((RQ, D), jnp.float32),
            pltpu.VMEM((RQ, D), jnp.float32),
            pltpu.SemaphoreType.DMA,
            pltpu.SemaphoreType.DMA,
        ],
    )
    def k(g_hbm, src_hbm, dst_hbm, e_hbm, z_hbm, ze_hbm,
          part_hbm, parte_hbm,
          acc_sh, acce_sh, idx_s, idx_d, ev, buf0, buf1, buf2, buf3,
          sem, sem_s):
        c = lax.axis_index("c")
        s = lax.axis_index("s")
        row0 = c * EROWS_PER_CORE + s * RPT

        pltpu.sync_copy(
            z_hbm, acc_sh.at[pl.ds(s * NODE_ROWS_PER_TILE, NODE_ROWS_PER_TILE)])
        pltpu.sync_copy(ze_hbm, acce_sh.at[pl.ds(s * E_CHUNK, E_CHUNK)])
        plsc.subcore_barrier()

        bufs = (buf0, buf1, buf2, buf3)

        def drain_g(buf):
            pltpu.make_async_copy(g_hbm.at[pl.ds(0, RQ)], buf, sem).wait()

        def drain_s(buf):
            pltpu.make_async_copy(g_hbm.at[pl.ds(0, RQ)], buf, sem_s).wait()

        def chunk(ci, carry):
            crow = row0 + ci * CH
            pltpu.sync_copy(src_hbm.at[pl.ds(crow, CH)], idx_s)
            pltpu.sync_copy(dst_hbm.at[pl.ds(crow, CH)], idx_d)
            pltpu.sync_copy(e_hbm.at[pl.ds(crow, CH)], ev)

            pltpu.async_copy(g_hbm.at[idx_s.at[0]], bufs[0], sem)
            pltpu.async_copy(g_hbm.at[idx_s.at[1]], bufs[1], sem)

            def body(j, carry2):
                r = NBUF * j
                for b in range(NBUF):
                    x = r + b
                    b2 = (b + 2) % NBUF

                    @pl.when(x >= 2)
                    def _():
                        drain_s(bufs[b2])

                    @pl.when(x + 2 < CH)
                    def _():
                        pltpu.async_copy(g_hbm.at[idx_s.at[x + 2]],
                                         bufs[b2], sem)

                    drain_g(bufs[b])
                    pltpu.async_copy(bufs[b], acc_sh.at[idx_d.at[x]], sem_s,
                                     add=True)
                    pltpu.sync_copy(ev.at[x], acce_sh.at[idx_d.at[x]],
                                    add=True)
                return carry2

            lax.fori_loop(0, CH // NBUF, body, 0)
            drain_s(bufs[(CH - 2) % NBUF])
            drain_s(bufs[(CH - 1) % NBUF])
            return carry

        lax.fori_loop(0, NCH, chunk, 0)
        plsc.subcore_barrier()

        pltpu.sync_copy(
            acc_sh.at[pl.ds(s * NODE_ROWS_PER_TILE, NODE_ROWS_PER_TILE)],
            part_hbm.at[c, pl.ds(s * NODE_ROWS_PER_TILE, NODE_ROWS_PER_TILE)])
        pltpu.sync_copy(
            acce_sh.at[pl.ds(s * E_CHUNK, E_CHUNK)],
            parte_hbm.at[c, pl.ds(s * E_CHUNK, E_CHUNK)])

    return k(g, src2d, dst2d, e2d, zrows, zeros_e)


def _tc_combine(part, parte, weight):
    R = 2000
    grid = N_NODES // R

    def body(part_ref, parte_ref, w_ref, out_ref):
        out_ref[:, :D] = (part_ref[0] + part_ref[1]) * w_ref[...]
        out_ref[:, D:] = parte_ref[0] + parte_ref[1]

    return pl.pallas_call(
        body,
        grid=(grid,),
        in_specs=[
            pl.BlockSpec((2, R, D), lambda i: (0, i, 0)),
            pl.BlockSpec((2, R, 1), lambda i: (0, i, 0)),
            pl.BlockSpec((1, D), lambda i: (0, 0)),
        ],
        out_specs=pl.BlockSpec((R, D + 1), lambda i: (i, 0)),
        out_shape=jax.ShapeDtypeStruct((N_NODES, D + 1), jnp.float32),
    )(part, parte, weight)


def kernel(graph_embedding, edge_index, e_feat, weight):
    npad = E_PADDED - N_EDGES
    src = edge_index[0].astype(jnp.int32)
    dst = edge_index[1].astype(jnp.int32)
    pad_ids = jnp.arange(npad, dtype=jnp.int32)
    src2d = jnp.concatenate(
        [src, pad_ids % N_NODES]).reshape(EROWS, RQ)
    dst2d = jnp.concatenate(
        [dst, N_NODES + pad_ids % (N_PAD - N_NODES)]).reshape(EROWS, RQ)
    e2d = jnp.concatenate(
        [e_feat.astype(jnp.float32),
         jnp.zeros((npad,), jnp.float32)]).reshape(EROWS, RQ)
    zrows = jnp.zeros((NODE_ROWS_PER_TILE, D), jnp.float32)
    zeros_e = jnp.zeros((E_CHUNK,), jnp.float32)
    part, parte = _sc_partials(graph_embedding, src2d, dst2d, e2d, zrows, zeros_e)
    return _tc_combine(part, parte.reshape(2, N_PAD, 1), weight)

# --- scband reference (transcript-rebuilt; emitter-appended) ---
"""Pipeline reference for scband-hnode-prompt-layer-feature-weighted-sum-21534966022303 (READ-ONLY COPY).

The authoritative reference and input builder live on the scoring server;
editing this copy changes nothing except your own understanding.
"""

import jax, jax.numpy as jnp
import numpy as np

N_NODES = 10000
N_EDGES = 320000
D_FEAT = 128


def setup_inputs(seed: int = 0) -> dict:
    key = jax.random.key(seed)
    k1, k2, k3, k4 = jax.random.split(key, 4)
    graph_embedding = jax.random.normal(k1, (N_NODES, D_FEAT), dtype=jnp.float32)
    edge_index = jax.random.randint(k2, (2, N_EDGES), 0, N_NODES, dtype=jnp.int64)
    e_feat = jax.random.normal(k3, (N_EDGES,), dtype=jnp.float32)
    # learned parameter: weight [1, input_dim], xavier_uniform init
    limit = float(np.sqrt(6.0 / (1 + D_FEAT)))
    weight = jax.random.uniform(k4, (1, D_FEAT), dtype=jnp.float32, minval=-limit, maxval=limit)
    return {"graph_embedding": graph_embedding, "edge_index": edge_index, "e_feat": e_feat, "weight": weight}


def reference(graph_embedding, edge_index, e_feat, weight):
    # e_feat = e_feat.reshape(-1, 1).float()
    e = e_feat.reshape(-1, 1).astype(jnp.float32)
    # emb = graph_embedding * self.weight  (broadcast [1, d])
    emb = graph_embedding * weight
    src = edge_index[0]
    dst = edge_index[1]
    # message: m = concat(src_ft, e) per edge -> [E, d+1]
    m = jnp.concatenate([jnp.take(emb, src, axis=0), e], axis=1)
    # fn.sum('m', 'ft'): sum messages over incoming edges per dst node
    res = jax.ops.segment_sum(m, dst, num_segments=N_NODES)
    return res

if __name__ == "__main__":
    import jax
    _d = setup_inputs()
    print(jax.jit(kernel)(*tuple(_d.values())))

</pallas_src>

<mosaic_0001>
#map = affine_map<(d0, d1) -> (0, 0)>
#map1 = affine_map<(d0, d1) -> (0)>
#map2 = affine_map<(d0, d1) -> (0, 0, 0)>
module attributes {stable_mosaic.version = 14 : i64} {
  func.func @k(%arg0: i32, %arg1: i32, %arg2: memref<10000x128xf32, #tpu.memory_space<hbm>>, %arg3: memref<5120x64xi32, #tpu.memory_space<hbm>>, %arg4: memref<5120x64xi32, #tpu.memory_space<hbm>>, %arg5: memref<5120x64xf32, #tpu.memory_space<hbm>>, %arg6: memref<640x128xf32, #tpu.memory_space<hbm>>, %arg7: memref<640xf32, #tpu.memory_space<hbm>>, %arg8: memref<2x10240x128xf32, #tpu.memory_space<hbm>>, %arg9: memref<2x10240xf32, #tpu.memory_space<hbm>>, %arg10: memref<10240x128xf32, #tpu.memory_space<vmem_shared>>, %arg11: memref<10240xf32, #tpu.memory_space<vmem_shared>>, %arg12: memref<40x64xi32, #tpu.memory_space<vmem>>, %arg13: memref<40x64xi32, #tpu.memory_space<vmem>>, %arg14: memref<40x64xf32, #tpu.memory_space<vmem>>, %arg15: memref<64x128xf32, #tpu.memory_space<vmem>>, %arg16: memref<64x128xf32, #tpu.memory_space<vmem>>, %arg17: memref<64x128xf32, #tpu.memory_space<vmem>>, %arg18: memref<64x128xf32, #tpu.memory_space<vmem>>, %arg19: memref<!tpu.dma_semaphore, #tpu.memory_space<semaphore_mem>>, %arg20: memref<!tpu.dma_semaphore, #tpu.memory_space<semaphore_mem>>) attributes {dimension_semantics = [#tpu.dimension_semantics<core_parallel>, #tpu.dimension_semantics<subcore_parallel>], iteration_bounds = array<i64: 2, 16>, scalar_prefetch = 0 : i64, scratch_operands = 11 : i64, tpu.core_type = #tpu.core_type<sc_vector_subcore>, window_params = [{transform_indices = #map}, {transform_indices = #map}, {transform_indices = #map}, {transform_indices = #map}, {transform_indices = #map}, {transform_indices = #map1}, {transform_indices = #map2}, {transform_indices = #map}]} {
    %mul3A = arith.constant 2560 : i32
    %mul3A_0 = arith.muli %arg0, %mul3A : i32
    %mul3A_1 = arith.constant 160 : i32
    %mul3A_2 = arith.muli %arg1, %mul3A_1 : i32
    %add3A = arith.addi %mul3A_0, %mul3A_2 : i32
    %mul3A_3 = arith.constant 640 : i32
    %mul3A_4 = arith.muli %arg1, %mul3A_3 : i32
    "tpu.region"() ({
      %run_scoped3A = tpu.sem_alloc : memref<!tpu.dma_semaphore, #tpu.memory_space<semaphore_mem>>
      %dma_start3A = arith.constant 0 : i32
      %dma_start3A_21 = tpu.memref_slice %arg10[%mul3A_4, %dma_start3A] : memref<10240x128xf32, #tpu.memory_space<vmem_shared>> -> memref<640x128xf32, #tpu.memory_space<vmem_shared>>
      tpu.enqueue_dma source(%arg6 : memref<640x128xf32, #tpu.memory_space<hbm>>) target(%dma_start3A_21 : memref<640x128xf32, #tpu.memory_space<vmem_shared>>) target_semaphore(%run_scoped3A : memref<!tpu.dma_semaphore, #tpu.memory_space<semaphore_mem>>)
      %dma_wait3A = arith.constant 0 : i32
      %dma_wait3A_22 = tpu.memref_slice %arg10[%mul3A_4, %dma_wait3A] : memref<10240x128xf32, #tpu.memory_space<vmem_shared>> -> memref<640x128xf32, #tpu.memory_space<vmem_shared>>
      tpu.wait_dma2 semaphore(%run_scoped3A : memref<!tpu.dma_semaphore, #tpu.memory_space<semaphore_mem>>) src(%arg6 : memref<640x128xf32, #tpu.memory_space<hbm>>) dst(%dma_wait3A_22 : memref<640x128xf32, #tpu.memory_space<vmem_shared>>)
      tpu.yield
    }) : () -> ()
    %mul3A_5 = arith.constant 640 : i32
    %mul3A_6 = arith.muli %arg1, %mul3A_5 : i32
    "tpu.region"() ({
      %run_scoped3A = tpu.sem_alloc : memref<!tpu.dma_semaphore, #tpu.memory_space<semaphore_mem>>
      %dma_start3A = tpu.memref_slice %arg11[%mul3A_6] : memref<10240xf32, #tpu.memory_space<vmem_shared>> -> memref<640xf32, #tpu.memory_space<vmem_shared>>
      tpu.enqueue_dma source(%arg7 : memref<640xf32, #tpu.memory_space<hbm>>) target(%dma_start3A : memref<640xf32, #tpu.memory_space<vmem_shared>>) target_semaphore(%run_scoped3A : memref<!tpu.dma_semaphore, #tpu.memory_space<semaphore_mem>>)
      %dma_wait3A = tpu.memref_slice %arg11[%mul3A_6] : memref<10240xf32, #tpu.memory_space<vmem_shared>> -> memref<640xf32, #tpu.memory_space<vmem_shared>>
      tpu.wait_dma2 semaphore(%run_scoped3A : memref<!tpu.dma_semaphore, #tpu.memory_space<semaphore_mem>>) src(%arg7 : memref<640xf32, #tpu.memory_space<hbm>>) dst(%dma_wait3A : memref<640xf32, #tpu.memory_space<vmem_shared>>)
      tpu.yield
    }) : () -> ()
    %barrier3A = arith.constant 0 : index
    tpu.barrier barrier_id(%barrier3A)
    %scan3A = arith.constant 0 : i32
    %scan3A_7 = arith.constant 0 : i32
    %scan3A_8 = arith.constant 4 : i32
    %scan3A_9 = arith.addi %scan3A_7, %scan3A_8 : i32
    %scan3A_10 = arith.constant 1 : i32
    scf.for %scan3A_21 = %scan3A_7 to %scan3A_9 step %scan3A_10  : i32 {
      %mul3A_22 = arith.constant 40 : i32
      %mul3A_23 = arith.muli %scan3A_21, %mul3A_22 : i32
      %add3A_24 = arith.addi %add3A, %mul3A_23 : i32
      "tpu.region"() ({
        %run_scoped3A = tpu.sem_alloc : memref<!tpu.dma_semaphore, #tpu.memory_space<semaphore_mem>>
        %dma_start3A_55 = arith.constant 0 : i32
        %dma_start3A_56 = tpu.memref_slice %arg3[%add3A_24, %dma_start3A_55] : memref<5120x64xi32, #tpu.memory_space<hbm>> -> memref<40x64xi32, #tpu.memory_space<hbm>>
        %dma_start3A_57 = arith.constant 0 : i32
        %dma_start3A_58 = tpu.memref_slice %arg3[%add3A_24, %dma_start3A_57] : memref<5120x64xi32, #tpu.memory_space<hbm>> -> memref<40x64xi32, #tpu.memory_space<hbm>>
        tpu.enqueue_dma source(%dma_start3A_58 : memref<40x64xi32, #tpu.memory_space<hbm>>) target(%arg12 : memref<40x64xi32, #tpu.memory_space<vmem>>) target_semaphore(%run_scoped3A : memref<!tpu.dma_semaphore, #tpu.memory_space<semaphore_mem>>)
        %dma_wait3A_59 = arith.constant 0 : i32
        %dma_wait3A_60 = tpu.memref_slice %arg3[%add3A_24, %dma_wait3A_59] : memref<5120x64xi32, #tpu.memory_space<hbm>> -> memref<40x64xi32, #tpu.memory_space<hbm>>
        %dma_wait3A_61 = arith.constant 0 : i32
        %dma_wait3A_62 = tpu.memref_slice %arg3[%add3A_24, %dma_wait3A_61] : memref<5120x64xi32, #tpu.memory_space<hbm>> -> memref<40x64xi32, #tpu.memory_space<hbm>>
        tpu.wait_dma2 semaphore(%run_scoped3A : memref<!tpu.dma_semaphore, #tpu.memory_space<semaphore_mem>>) src(%dma_wait3A_62 : memref<40x64xi32, #tpu.memory_space<hbm>>) dst(%arg12 : memref<40x64xi32, #tpu.memory_space<vmem>>)
        tpu.yield
      }) : () -> ()
      "tpu.region"() ({
        %run_scoped3A = tpu.sem_alloc : memref<!tpu.dma_semaphore, #tpu.memory_space<semaphore_mem>>
        %dma_start3A_55 = arith.constant 0 : i32
        %dma_start3A_56 = tpu.memref_slice %arg4[%add3A_24, %dma_start3A_55] : memref<5120x64xi32, #tpu.memory_space<hbm>> -> memref<40x64xi32, #tpu.memory_space<hbm>>
        %dma_start3A_57 = arith.constant 0 : i32
        %dma_start3A_58 = tpu.memref_slice %arg4[%add3A_24, %dma_start3A_57] : memref<5120x64xi32, #tpu.memory_space<hbm>> -> memref<40x64xi32, #tpu.memory_space<hbm>>
        tpu.enqueue_dma source(%dma_start3A_58 : memref<40x64xi32, #tpu.memory_space<hbm>>) target(%arg13 : memref<40x64xi32, #tpu.memory_space<vmem>>) target_semaphore(%run_scoped3A : memref<!tpu.dma_semaphore, #tpu.memory_space<semaphore_mem>>)
        %dma_wait3A_59 = arith.constant 0 : i32
        %dma_wait3A_60 = tpu.memref_slice %arg4[%add3A_24, %dma_wait3A_59] : memref<5120x64xi32, #tpu.memory_space<hbm>> -> memref<40x64xi32, #tpu.memory_space<hbm>>
        %dma_wait3A_61 = arith.constant 0 : i32
        %dma_wait3A_62 = tpu.memref_slice %arg4[%add3A_24, %dma_wait3A_61] : memref<5120x64xi32, #tpu.memory_space<hbm>> -> memref<40x64xi32, #tpu.memory_space<hbm>>
        tpu.wait_dma2 semaphore(%run_scoped3A : memref<!tpu.dma_semaphore, #tpu.memory_space<semaphore_mem>>) src(%dma_wait3A_62 : memref<40x64xi32, #tpu.memory_space<hbm>>) dst(%arg13 : memref<40x64xi32, #tpu.memory_space<vmem>>)
        tpu.yield
      }) : () -> ()
      "tpu.region"() ({
        %run_scoped3A = tpu.sem_alloc : memref<!tpu.dma_semaphore, #tpu.memory_space<semaphore_mem>>
        %dma_start3A_55 = arith.constant 0 : i32
        %dma_start3A_56 = tpu.memref_slice %arg5[%add3A_24, %dma_start3A_55] : memref<5120x64xf32, #tpu.memory_space<hbm>> -> memref<40x64xf32, #tpu.memory_space<hbm>>
        %dma_start3A_57 = arith.constant 0 : i32
        %dma_start3A_58 = tpu.memref_slice %arg5[%add3A_24, %dma_start3A_57] : memref<5120x64xf32, #tpu.memory_space<hbm>> -> memref<40x64xf32, #tpu.memory_space<hbm>>
        tpu.enqueue_dma source(%dma_start3A_58 : memref<40x64xf32, #tpu.memory_space<hbm>>) target(%arg14 : memref<40x64xf32, #tpu.memory_space<vmem>>) target_semaphore(%run_scoped3A : memref<!tpu.dma_semaphore, #tpu.memory_space<semaphore_mem>>)
        %dma_wait3A_59 = arith.constant 0 : i32
        %dma_wait3A_60 = tpu.memref_slice %arg5[%add3A_24, %dma_wait3A_59] : memref<5120x64xf32, #tpu.memory_space<hbm>> -> memref<40x64xf32, #tpu.memory_space<hbm>>
        %dma_wait3A_61 = arith.constant 0 : i32
        %dma_wait3A_62 = tpu.memref_slice %arg5[%add3A_24, %dma_wait3A_61] : memref<5120x64xf32, #tpu.memory_space<hbm>> -> memref<40x64xf32, #tpu.memory_space<hbm>>
        tpu.wait_dma2 semaphore(%run_scoped3A : memref<!tpu.dma_semaphore, #tpu.memory_space<semaphore_mem>>) src(%dma_wait3A_62 : memref<40x64xf32, #tpu.memory_space<hbm>>) dst(%arg14 : memref<40x64xf32, #tpu.memory_space<vmem>>)
        tpu.yield
      }) : () -> ()
      %dma_start3A = arith.constant 0 : i32
      %dma_start3A_25 = arith.constant 0 : i32
      %dma_start3A_26 = tpu.memref_slice %arg12[%dma_start3A, %dma_start3A_25] : memref<40x64xi32, #tpu.memory_space<vmem>> -> memref<1x64xi32, #tpu.memory_space<vmem>>
      %dma_start3A_27 = tpu.memref_squeeze %dma_start3A_26 : memref<1x64xi32, #tpu.memory_space<vmem>> -> memref<64xi32, #tpu.memory_space<vmem>>
      %dma_start3A_28 = arith.constant 0 : i32
      %dma_start3A_29 = arith.constant 0 : i32
      %dma_start3A_30 = tpu.memref_slice %arg2[%dma_start3A_28, %dma_start3A_29] : memref<10000x128xf32, #tpu.memory_space<hbm>> -> memref<10000x128xf32, #tpu.memory_space<hbm>>
      tpu.enqueue_indirect_dma source(%dma_start3A_30 : memref<10000x128xf32, #tpu.memory_space<hbm>>) target(%arg15 : memref<64x128xf32, #tpu.memory_space<vmem>>) offsets(%dma_start3A_27 : memref<64xi32, #tpu.memory_space<vmem>>) semaphore(%arg19 : memref<!tpu.dma_semaphore, #tpu.memory_space<semaphore_mem>>)
      %dma_start3A_31 = arith.constant 1 : i32
      %dma_start3A_32 = arith.constant 0 : i32
      %dma_start3A_33 = tpu.memref_slice %arg12[%dma_start3A_31, %dma_start3A_32] : memref<40x64xi32, #tpu.memory_space<vmem>> -> memref<1x64xi32, #tpu.memory_space<vmem>>
      %dma_start3A_34 = tpu.memref_squeeze %dma_start3A_33 : memref<1x64xi32, #tpu.memory_space<vmem>> -> memref<64xi32, #tpu.memory_space<vmem>>
      %dma_start3A_35 = arith.constant 0 : i32
      %dma_start3A_36 = arith.constant 0 : i32
      %dma_start3A_37 = tpu.memref_slice %arg2[%dma_start3A_35, %dma_start3A_36] : memref<10000x128xf32, #tpu.memory_space<hbm>> -> memref<10000x128xf32, #tpu.memory_space<hbm>>
      tpu.enqueue_indirect_dma source(%dma_start3A_37 : memref<10000x128xf32, #tpu.memory_space<hbm>>) target(%arg16 : memref<64x128xf32, #tpu.memory_space<vmem>>) offsets(%dma_start3A_34 : memref<64xi32, #tpu.memory_space<vmem>>) semaphore(%arg19 : memref<!tpu.dma_semaphore, #tpu.memory_space<semaphore_mem>>)
      %scan3A_38 = arith.constant 0 : i32
      %scan3A_39 = arith.constant 0 : i32
      %scan3A_40 = arith.constant 10 : i32
      %scan3A_41 = arith.addi %scan3A_39, %scan3A_40 : i32
      %scan3A_42 = arith.constant 1 : i32
      scf.for %scan3A_55 = %scan3A_39 to %scan3A_41 step %scan3A_42  : i32 {
        %mul3A_56 = arith.constant 4 : i32
        %mul3A_57 = arith.muli %mul3A_56, %scan3A_55 : i32
        %add3A_58 = arith.constant 0 : i32
        %add3A_59 = arith.addi %mul3A_57, %add3A_58 : i32
        %ge3A = arith.constant 2 : i32
        %ge3A_60 = arith.cmpi sge, %add3A_59, %ge3A : i32
        %convert_element_type3A = arith.extui %ge3A_60 : i1 to i32
        %cond3A = arith.constant 0 : i32
        %cond3A_61 = arith.cmpi ne, %convert_element_type3A, %cond3A : i32
        scf.if %cond3A_61 {
          %dma_wait3A_158 = arith.constant 0 : i32
          %dma_wait3A_159 = arith.constant 0 : i32
          %dma_wait3A_160 = tpu.memref_slice %arg2[%dma_wait3A_158, %dma_wait3A_159] : memref<10000x128xf32, #tpu.memory_space<hbm>> -> memref<64x128xf32, #tpu.memory_space<hbm>>
          %dma_wait3A_161 = arith.constant 0 : i32
          %dma_wait3A_162 = arith.constant 0 : i32
          %dma_wait3A_163 = tpu.memref_slice %arg2[%dma_wait3A_161, %dma_wait3A_162] : memref<10000x128xf32, #tpu.memory_space<hbm>> -> memref<64x128xf32, #tpu.memory_space<hbm>>
          tpu.wait_dma2 semaphore(%arg20 : memref<!tpu.dma_semaphore, #tpu.memory_space<semaphore_mem>>) src(%dma_wait3A_163 : memref<64x128xf32, #tpu.memory_space<hbm>>) dst(%arg17 : memref<64x128xf32, #tpu.memory_space<vmem>>)
        } else {
        }
        %add3A_62 = arith.constant 2 : i32
        %add3A_63 = arith.addi %add3A_59, %add3A_62 : i32
        %lt3A = arith.constant 40 : i32
        %lt3A_64 = arith.cmpi slt, %add3A_63, %lt3A : i32
        %convert_element_type3A_65 = arith.extui %lt3A_64 : i1 to i32
        %cond3A_66 = arith.constant 0 : i32
        %cond3A_67 = arith.cmpi ne, %convert_element_type3A_65, %cond3A_66 : i32
        scf.if %cond3A_67 {
          %add3A_158 = arith.constant 2 : i32
          %add3A_159 = arith.addi %add3A_59, %add3A_158 : i32
          %dma_start3A_160 = arith.constant 0 : i32
          %dma_start3A_161 = tpu.memref_slice %arg12[%add3A_159, %dma_start3A_160] : memref<40x64xi32, #tpu.memory_space<vmem>> -> memref<1x64xi32, #tpu.memory_space<vmem>>
          %dma_start3A_162 = tpu.memref_squeeze %dma_start3A_161 : memref<1x64xi32, #tpu.memory_space<vmem>> -> memref<64xi32, #tpu.memory_space<vmem>>
          %dma_start3A_163 = arith.constant 0 : i32
          %dma_start3A_164 = arith.constant 0 : i32
          %dma_start3A_165 = tpu.memref_slice %arg2[%dma_start3A_163, %dma_start3A_164] : memref<10000x128xf32, #tpu.memory_space<hbm>> -> memref<10000x128xf32, #tpu.memory_space<hbm>>
          tpu.enqueue_indirect_dma source(%dma_start3A_165 : memref<10000x128xf32, #tpu.memory_space<hbm>>) target(%arg17 : memref<64x128xf32, #tpu.memory_space<vmem>>) offsets(%dma_start3A_162 : memref<64xi32, #tpu.memory_space<vmem>>) semaphore(%arg19 : memref<!tpu.dma_semaphore, #tpu.memory_space<semaphore_mem>>)
        } else {
        }
        %dma_wait3A_68 = arith.constant 0 : i32
        %dma_wait3A_69 = arith.constant 0 : i32
        %dma_wait3A_70 = tpu.memref_slice %arg2[%dma_wait3A_68, %dma_wait3A_69] : memref<10000x128xf32, #tpu.memory_space<hbm>> -> memref<64x128xf32, #tpu.memory_space<hbm>>
        %dma_wait3A_71 = arith.constant 0 : i32
        %dma_wait3A_72 = arith.constant 0 : i32
        %dma_wait3A_73 = tpu.memref_slice %arg2[%dma_wait3A_71, %dma_wait3A_72] : memref<10000x128xf32, #tpu.memory_space<hbm>> -> memref<64x128xf32, #tpu.memory_space<hbm>>
        tpu.wait_dma2 semaphore(%arg19 : memref<!tpu.dma_semaphore, #tpu.memory_space<semaphore_mem>>) src(%dma_wait3A_73 : memref<64x128xf32, #tpu.memory_space<hbm>>) dst(%arg15 : memref<64x128xf32, #tpu.memory_space<vmem>>)
        %dma_start3A_74 = arith.constant 0 : i32
        %dma_start3A_75 = tpu.memref_slice %arg13[%add3A_59, %dma_start3A_74] : memref<40x64xi32, #tpu.memory_space<vmem>> -> memref<1x64xi32, #tpu.memory_space<vmem>>
        %dma_start3A_76 = tpu.memref_squeeze %dma_start3A_75 : memref<1x64xi32, #tpu.memory_space<vmem>> -> memref<64xi32, #tpu.memory_space<vmem>>
        %dma_start3A_77 = arith.constant 0 : i32
        %dma_start3A_78 = arith.constant 0 : i32
        %dma_start3A_79 = tpu.memref_slice %arg10[%dma_start3A_77, %dma_start3A_78] : memref<10240x128xf32, #tpu.memory_space<vmem_shared>> -> memref<10240x128xf32, #tpu.memory_space<vmem_shared>>
        tpu.enqueue_indirect_dma source(%arg15 : memref<64x128xf32, #tpu.memory_space<vmem>>) target(%dma_start3A_79 : memref<10240x128xf32, #tpu.memory_space<vmem_shared>>) offsets(%dma_start3A_76 : memref<64xi32, #tpu.memory_space<vmem>>) semaphore(%arg20 : memref<!tpu.dma_semaphore, #tpu.memory_space<semaphore_mem>>) {add = true}
        "tpu.region"() ({
          %run_scoped3A = tpu.sem_alloc : memref<!tpu.dma_semaphore, #tpu.memory_space<semaphore_mem>>
          %dma_start3A_158 = arith.constant 0 : i32
          %dma_start3A_159 = tpu.memref_slice %arg14[%add3A_59, %dma_start3A_158] : memref<40x64xf32, #tpu.memory_space<vmem>> -> memref<1x64xf32, #tpu.memory_space<vmem>>
          %dma_start3A_160 = tpu.memref_squeeze %dma_start3A_159 : memref<1x64xf32, #tpu.memory_space<vmem>> -> memref<64xf32, #tpu.memory_space<vmem>>
          %dma_start3A_161 = arith.constant 0 : i32
          %dma_start3A_162 = tpu.memref_slice %arg13[%add3A_59, %dma_start3A_161] : memref<40x64xi32, #tpu.memory_space<vmem>> -> memref<1x64xi32, #tpu.memory_space<vmem>>
          %dma_start3A_163 = tpu.memref_squeeze %dma_start3A_162 : memref<1x64xi32, #tpu.memory_space<vmem>> -> memref<64xi32, #tpu.memory_space<vmem>>
          %dma_start3A_164 = arith.constant 0 : i32
          %dma_start3A_165 = tpu.memref_slice %arg11[%dma_start3A_164] : memref<10240xf32, #tpu.memory_space<vmem_shared>> -> memref<10240xf32, #tpu.memory_space<vmem_shared>>
          tpu.enqueue_indirect_dma source(%dma_start3A_160 : memref<64xf32, #tpu.memory_space<vmem>>) target(%dma_start3A_165 : memref<10240xf32, #tpu.memory_space<vmem_shared>>) offsets(%dma_start3A_163 : memref<64xi32, #tpu.memory_space<vmem>>) semaphore(%run_scoped3A : memref<!tpu.dma_semaphore, #tpu.memory_space<semaphore_mem>>) {add = true}
          %dma_wait3A_166 = arith.constant 0 : i32
          %dma_wait3A_167 = tpu.memref_slice %arg14[%add3A_59, %dma_wait3A_166] : memref<40x64xf32, #tpu.memory_space<vmem>> -> memref<1x64xf32, #tpu.memory_space<vmem>>
          %dma_wait3A_168 = tpu.memref_squeeze %dma_wait3A_167 : memref<1x64xf32, #tpu.memory_space<vmem>> -> memref<64xf32, #tpu.memory_space<vmem>>
          %dma_wait3A_169 = arith.constant 0 : i32
          %dma_wait3A_170 = tpu.memref_slice %arg13[%add3A_59, %dma_wait3A_169] : memref<40x64xi32, #tpu.memory_space<vmem>> -> memref<1x64xi32, #tpu.memory_space<vmem>>
          %dma_wait3A_171 = tpu.memref_squeeze %dma_wait3A_170 : memref<1x64xi32, #tpu.memory_space<vmem>> -> memref<64xi32, #tpu.memory_space<vmem>>
          %dma_wait3A_172 = arith.constant 0 : i32
          %dma_wait3A_173 = tpu.memref_slice %arg11[%dma_wait3A_172] : memref<10240xf32, #tpu.memory_space<vmem_shared>> -> memref<10240xf32, #tpu.memory_space<vmem_shared>>
          tpu.wait_indirect_dma semaphore(%run_scoped3A : memref<!tpu.dma_semaphore, #tpu.memory_space<semaphore_mem>>) src(%dma_wait3A_168 : memref<64xf32, #tpu.memory_space<vmem>>) dst(%dma_wait3A_173 : memref<10240xf32, #tpu.memory_space<vmem_shared>>)
          tpu.yield
        }) : () -> ()
        %add3A_80 = arith.constant 1 : i32
        %add3A_81 = arith.addi %mul3A_57, %add3A_80 : i32
        %ge3A_82 = arith.constant 2 : i32
        %ge3A_83 = arith.cmpi sge, %add3A_81, %ge3A_82 : i32
        %convert_element_type3A_84 = arith.extui %ge3A_83 : i1 to i32
        %cond3A_85 = arith.constant 0 : i32
        %cond3A_86 = arith.cmpi ne, %convert_element_type3A_84, %cond3A_85 : i32
        scf.if %cond3A_86 {
          %dma_wait3A_158 = arith.constant 0 : i32
          %dma_wait3A_159 = arith.constant 0 : i32
          %dma_wait3A_160 = tpu.memref_slice %arg2[%dma_wait3A_158, %dma_wait3A_159] : memref<10000x128xf32, #tpu.memory_space<hbm>> -> memref<64x128xf32, #tpu.memory_space<hbm>>
          %dma_wait3A_161 = arith.constant 0 : i32
          %dma_wait3A_162 = arith.constant 0 : i32
          %dma_wait3A_163 = tpu.memref_slice %arg2[%dma_wait3A_161, %dma_wait3A_162] : memref<10000x128xf32, #tpu.memory_space<hbm>> -> memref<64x128xf32, #tpu.memory_space<hbm>>
          tpu.wait_dma2 semaphore(%arg20 : memref<!tpu.dma_semaphore, #tpu.memory_space<semaphore_mem>>) src(%dma_wait3A_163 : memref<64x128xf32, #tpu.memory_space<hbm>>) dst(%arg18 : memref<64x128xf32, #tpu.memory_space<vmem>>)
        } else {
        }
        %add3A_87 = arith.constant 2 : i32
        %add3A_88 = arith.addi %add3A_81, %add3A_87 : i32
        %lt3A_89 = arith.constant 40 : i32
        %lt3A_90 = arith.cmpi slt, %add3A_88, %lt3A_89 : i32
        %convert_element_type3A_91 = arith.extui %lt3A_90 : i1 to i32
        %cond3A_92 = arith.constant 0 : i32
        %cond3A_93 = arith.cmpi ne, %convert_element_type3A_91, %cond3A_92 : i32
        scf.if %cond3A_93 {
          %add3A_158 = arith.constant 2 : i32
          %add3A_159 = arith.addi %add3A_81, %add3A_158 : i32
          %dma_start3A_160 = arith.constant 0 : i32
          %dma_start3A_161 = tpu.memref_slice %arg12[%add3A_159, %dma_start3A_160] : memref<40x64xi32, #tpu.memory_space<vmem>> -> memref<1x64xi32, #tpu.memory_space<vmem>>
          %dma_start3A_162 = tpu.memref_squeeze %dma_start3A_161 : memref<1x64xi32, #tpu.memory_space<vmem>> -> memref<64xi32, #tpu.memory_space<vmem>>
          %dma_start3A_163 = arith.constant 0 : i32
          %dma_start3A_164 = arith.constant 0 : i32
          %dma_start3A_165 = tpu.memref_slice %arg2[%dma_start3A_163, %dma_start3A_164] : memref<10000x128xf32, #tpu.memory_space<hbm>> -> memref<10000x128xf32, #tpu.memory_space<hbm>>
          tpu.enqueue_indirect_dma source(%dma_start3A_165 : memref<10000x128xf32, #tpu.memory_space<hbm>>) target(%arg18 : memref<64x128xf32, #tpu.memory_space<vmem>>) offsets(%dma_start3A_162 : memref<64xi32, #tpu.memory_space<vmem>>) semaphore(%arg19 : memref<!tpu.dma_semaphore, #tpu.memory_space<semaphore_mem>>)
        } else {
        }
        %dma_wait3A_94 = arith.constant 0 : i32
        %dma_wait3A_95 = arith.constant 0 : i32
        %dma_wait3A_96 = tpu.memref_slice %arg2[%dma_wait3A_94, %dma_wait3A_95] : memref<10000x128xf32, #tpu.memory_space<hbm>> -> memref<64x128xf32, #tpu.memory_space<hbm>>
        %dma_wait3A_97 = arith.constant 0 : i32
        %dma_wait3A_98 = arith.constant 0 : i32
        %dma_wait3A_99 = tpu.memref_slice %arg2[%dma_wait3A_97, %dma_wait3A_98] : memref<10000x128xf32, #tpu.memory_space<hbm>> -> memref<64x128xf32, #tpu.memory_space<hbm>>
        tpu.wait_dma2 semaphore(%arg19 : memref<!tpu.dma_semaphore, #tpu.memory_space<semaphore_mem>>) src(%dma_wait3A_99 : memref<64x128xf32, #tpu.memory_space<hbm>>) dst(%arg16 : memref<64x128xf32, #tpu.memory_space<vmem>>)
        %dma_start3A_100 = arith.constant 0 : i32
        %dma_start3A_101 = tpu.memref_slice %arg13[%add3A_81, %dma_start3A_100] : memref<40x64xi32, #tpu.memory_space<vmem>> -> memref<1x64xi32, #tpu.memory_space<vmem>>
        %dma_start3A_102 = tpu.memref_squeeze %dma_start3A_101 : memref<1x64xi32, #tpu.memory_space<vmem>> -> memref<64xi32, #tpu.memory_space<vmem>>
        %dma_start3A_103 = arith.constant 0 : i32
        %dma_start3A_104 = arith.constant 0 : i32
        %dma_start3A_105 = tpu.memref_slice %arg10[%dma_start3A_103, %dma_start3A_104] : memref<10240x128xf32, #tpu.memory_space<vmem_shared>> -> memref<10240x128xf32, #tpu.memory_space<vmem_shared>>
        tpu.enqueue_indirect_dma source(%arg16 : memref<64x128xf32, #tpu.memory_space<vmem>>) target(%dma_start3A_105 : memref<10240x128xf32, #tpu.memory_space<vmem_shared>>) offsets(%dma_start3A_102 : memref<64xi32, #tpu.memory_space<vmem>>) semaphore(%arg20 : memref<!tpu.dma_semaphore, #tpu.memory_space<semaphore_mem>>) {add = true}
        "tpu.region"() ({
          %run_scoped3A = tpu.sem_alloc : memref<!tpu.dma_semaphore, #tpu.memory_space<semaphore_mem>>
          %dma_start3A_158 = arith.constant 0 : i32
          %dma_start3A_159 = tpu.memref_slice %arg14[%add3A_81, %dma_start3A_158] : memref<40x64xf32, #tpu.memory_space<vmem>> -> memref<1x64xf32, #tpu.memory_space<vmem>>
          %dma_start3A_160 = tpu.memref_squeeze %dma_start3A_159 : memref<1x64xf32, #tpu.memory_space<vmem>> -> memref<64xf32, #tpu.memory_space<vmem>>
          %dma_start3A_161 = arith.constant 0 : i32
          %dma_start3A_162 = tpu.memref_slice %arg13[%add3A_81, %dma_start3A_161] : memref<40x64xi32, #tpu.memory_space<vmem>> -> memref<1x64xi32, #tpu.memory_space<vmem>>
          %dma_start3A_163 = tpu.memref_squeeze %dma_start3A_162 : memref<1x64xi32, #tpu.memory_space<vmem>> -> memref<64xi32, #tpu.memory_space<vmem>>
          %dma_start3A_164 = arith.constant 0 : i32
          %dma_start3A_165 = tpu.memref_slice %arg11[%dma_start3A_164] : memref<10240xf32, #tpu.memory_space<vmem_shared>> -> memref<10240xf32, #tpu.memory_space<vmem_shared>>
          tpu.enqueue_indirect_dma source(%dma_start3A_160 : memref<64xf32, #tpu.memory_space<vmem>>) target(%dma_start3A_165 : memref<10240xf32, #tpu.memory_space<vmem_shared>>) offsets(%dma_start3A_163 : memref<64xi32, #tpu.memory_space<vmem>>) semaphore(%run_scoped3A : memref<!tpu.dma_semaphore, #tpu.memory_space<semaphore_mem>>) {add = true}
          %dma_wait3A_166 = arith.constant 0 : i32
          %dma_wait3A_167 = tpu.memref_slice %arg14[%add3A_81, %dma_wait3A_166] : memref<40x64xf32, #tpu.memory_space<vmem>> -> memref<1x64xf32, #tpu.memory_space<vmem>>
          %dma_wait3A_168 = tpu.memref_squeeze %dma_wait3A_167 : memref<1x64xf32, #tpu.memory_space<vmem>> -> memref<64xf32, #tpu.memory_space<vmem>>
          %dma_wait3A_169 = arith.constant 0 : i32
          %dma_wait3A_170 = tpu.memref_slice %arg13[%add3A_81, %dma_wait3A_169] : memref<40x64xi32, #tpu.memory_space<vmem>> -> memref<1x64xi32, #tpu.memory_space<vmem>>
          %dma_wait3A_171 = tpu.memref_squeeze %dma_wait3A_170 : memref<1x64xi32, #tpu.memory_space<vmem>> -> memref<64xi32, #tpu.memory_space<vmem>>
          %dma_wait3A_172 = arith.constant 0 : i32
          %dma_wait3A_173 = tpu.memref_slice %arg11[%dma_wait3A_172] : memref<10240xf32, #tpu.memory_space<vmem_shared>> -> memref<10240xf32, #tpu.memory_space<vmem_shared>>
          tpu.wait_indirect_dma semaphore(%run_scoped3A : memref<!tpu.dma_semaphore, #tpu.memory_space<semaphore_mem>>) src(%dma_wait3A_168 : memref<64xf32, #tpu.memory_space<vmem>>) dst(%dma_wait3A_173 : memref<10240xf32, #tpu.memory_space<vmem_shared>>)
          tpu.yield
        }) : () -> ()
        %add3A_106 = arith.constant 2 : i32
        %add3A_107 = arith.addi %mul3A_57, %add3A_106 : i32
        %ge3A_108 = arith.constant 2 : i32
        %ge3A_109 = arith.cmpi sge, %add3A_107, %ge3A_108 : i32
        %convert_element_type3A_110 = arith.extui %ge3A_109 : i1 to i32
        %cond3A_111 = arith.constant 0 : i32
        %cond3A_112 = arith.cmpi ne, %convert_element_type3A_110, %cond3A_111 : i32
        scf.if %cond3A_112 {
          %dma_wait3A_158 = arith.constant 0 : i32
          %dma_wait3A_159 = arith.constant 0 : i32
          %dma_wait3A_160 = tpu.memref_slice %arg2[%dma_wait3A_158, %dma_wait3A_159] : memref<10000x128xf32, #tpu.memory_space<hbm>> -> memref<64x128xf32, #tpu.memory_space<hbm>>
          %dma_wait3A_161 = arith.constant 0 : i32
          %dma_wait3A_162 = arith.constant 0 : i32
          %dma_wait3A_163 = tpu.memref_slice %arg2[%dma_wait3A_161, %dma_wait3A_162] : memref<10000x128xf32, #tpu.memory_space<hbm>> -> memref<64x128xf32, #tpu.memory_space<hbm>>
          tpu.wait_dma2 semaphore(%arg20 : memref<!tpu.dma_semaphore, #tpu.memory_space<semaphore_mem>>) src(%dma_wait3A_163 : memref<64x128xf32, #tpu.memory_space<hbm>>) dst(%arg15 : memref<64x128xf32, #tpu.memory_space<vmem>>)
        } else {
        }
        %add3A_113 = arith.constant 2 : i32
        %add3A_114 = arith.addi %add3A_107, %add3A_113 : i32
        %lt3A_115 = arith.constant 40 : i32
        %lt3A_116 = arith.cmpi slt, %add3A_114, %lt3A_115 : i32
        %convert_element_type3A_117 = arith.extui %lt3A_116 : i1 to i32
        %cond3A_118 = arith.constant 0 : i32
        %cond3A_119 = arith.cmpi ne, %convert_element_type3A_117, %cond3A_118 : i32
        scf.if %cond3A_119 {
          %add3A_158 = arith.constant 2 : i32
          %add3A_159 = arith.addi %add3A_107, %add3A_158 : i32
          %dma_start3A_160 = arith.constant 0 : i32
          %dma_start3A_161 = tpu.memref_slice %arg12[%add3A_159, %dma_start3A_160] : memref<40x64xi32, #tpu.memory_space<vmem>> -> memref<1x64xi32, #tpu.memory_space<vmem>>
          %dma_start3A_162 = tpu.memref_squeeze %dma_start3A_161 : memref<1x64xi32, #tpu.memory_space<vmem>> -> memref<64xi32, #tpu.memory_space<vmem>>
          %dma_start3A_163 = arith.constant 0 : i32
          %dma_start3A_164 = arith.constant 0 : i32
          %dma_start3A_165 = tpu.memref_slice %arg2[%dma_start3A_163, %dma_start3A_164] : memref<10000x128xf32, #tpu.memory_space<hbm>> -> memref<10000x128xf32, #tpu.memory_space<hbm>>
          tpu.enqueue_indirect_dma source(%dma_start3A_165 : memref<10000x128xf32, #tpu.memory_space<hbm>>) target(%arg15 : memref<64x128xf32, #tpu.memory_space<vmem>>) offsets(%dma_start3A_162 : memref<64xi32, #tpu.memory_space<vmem>>) semaphore(%arg19 : memref<!tpu.dma_semaphore, #tpu.memory_space<semaphore_mem>>)
        } else {
        }
        %dma_wait3A_120 = arith.constant 0 : i32
        %dma_wait3A_121 = arith.constant 0 : i32
        %dma_wait3A_122 = tpu.memref_slice %arg2[%dma_wait3A_120, %dma_wait3A_121] : memref<10000x128xf32, #tpu.memory_space<hbm>> -> memref<64x128xf32, #tpu.memory_space<hbm>>
        %dma_wait3A_123 = arith.constant 0 : i32
        %dma_wait3A_124 = arith.constant 0 : i32
        %dma_wait3A_125 = tpu.memref_slice %arg2[%dma_wait3A_123, %dma_wait3A_124] : memref<10000x128xf32, #tpu.memory_space<hbm>> -> memref<64x128xf32, #tpu.memory_space<hbm>>
        tpu.wait_dma2 semaphore(%arg19 : memref<!tpu.dma_semaphore, #tpu.memory_space<semaphore_mem>>) src(%dma_wait3A_125 : memref<64x128xf32, #tpu.memory_space<hbm>>) dst(%arg17 : memref<64x128xf32, #tpu.memory_space<vmem>>)
        %dma_start3A_126 = arith.constant 0 : i32
        %dma_start3A_127 = tpu.memref_slice %arg13[%add3A_107, %dma_start3A_126] : memref<40x64xi32, #tpu.memory_space<vmem>> -> memref<1x64xi32, #tpu.memory_space<vmem>>
        %dma_start3A_128 = tpu.memref_squeeze %dma_start3A_127 : memref<1x64xi32, #tpu.memory_space<vmem>> -> memref<64xi32, #tpu.memory_space<vmem>>
        %dma_start3A_129 = arith.constant 0 : i32
        %dma_start3A_130 = arith.constant 0 : i32
        %dma_start3A_131 = tpu.memref_slice %arg10[%dma_start3A_129, %dma_start3A_130] : memref<10240x128xf32, #tpu.memory_space<vmem_shared>> -> memref<10240x128xf32, #tpu.memory_space<vmem_shared>>
        tpu.enqueue_indirect_dma source(%arg17 : memref<64x128xf32, #tpu.memory_space<vmem>>) target(%dma_start3A_131 : memref<10240x128xf32, #tpu.memory_space<vmem_shared>>) offsets(%dma_start3A_128 : memref<64xi32, #tpu.memory_space<vmem>>) semaphore(%arg20 : memref<!tpu.dma_semaphore, #tpu.memory_space<semaphore_mem>>) {add = true}
        "tpu.region"() ({
          %run_scoped3A = tpu.sem_alloc : memref<!tpu.dma_semaphore, #tpu.memory_space<semaphore_mem>>
          %dma_start3A_158 = arith.constant 0 : i32
          %dma_start3A_159 = tpu.memref_slice %arg14[%add3A_107, %dma_start3A_158] : memref<40x64xf32, #tpu.memory_space<vmem>> -> memref<1x64xf32, #tpu.memory_space<vmem>>
          %dma_start3A_160 = tpu.memref_squeeze %dma_start3A_159 : memref<1x64xf32, #tpu.memory_space<vmem>> -> memref<64xf32, #tpu.memory_space<vmem>>
          %dma_start3A_161 = arith.constant 0 : i32
          %dma_start3A_162 = tpu.memref_slice %arg13[%add3A_107, %dma_start3A_161] : memref<40x64xi32, #tpu.memory_space<vmem>> -> memref<1x64xi32, #tpu.memory_space<vmem>>
          %dma_start3A_163 = tpu.memref_squeeze %dma_start3A_162 : memref<1x64xi32, #tpu.memory_space<vmem>> -> memref<64xi32, #tpu.memory_space<vmem>>
          %dma_start3A_164 = arith.constant 0 : i32
          %dma_start3A_165 = tpu.memref_slice %arg11[%dma_start3A_164] : memref<10240xf32, #tpu.memory_space<vmem_shared>> -> memref<10240xf32, #tpu.memory_space<vmem_shared>>
          tpu.enqueue_indirect_dma source(%dma_start3A_160 : memref<64xf32, #tpu.memory_space<vmem>>) target(%dma_start3A_165 : memref<10240xf32, #tpu.memory_space<vmem_shared>>) offsets(%dma_start3A_163 : memref<64xi32, #tpu.memory_space<vmem>>) semaphore(%run_scoped3A : memref<!tpu.dma_semaphore, #tpu.memory_space<semaphore_mem>>) {add = true}
          %dma_wait3A_166 = arith.constant 0 : i32
          %dma_wait3A_167 = tpu.memref_slice %arg14[%add3A_107, %dma_wait3A_166] : memref<40x64xf32, #tpu.memory_space<vmem>> -> memref<1x64xf32, #tpu.memory_space<vmem>>
          %dma_wait3A_168 = tpu.memref_squeeze %dma_wait3A_167 : memref<1x64xf32, #tpu.memory_space<vmem>> -> memref<64xf32, #tpu.memory_space<vmem>>
          %dma_wait3A_169 = arith.constant 0 : i32
          %dma_wait3A_170 = tpu.memref_slice %arg13[%add3A_107, %dma_wait3A_169] : memref<40x64xi32, #tpu.memory_space<vmem>> -> memref<1x64xi32, #tpu.memory_space<vmem>>
          %dma_wait3A_171 = tpu.memref_squeeze %dma_wait3A_170 : memref<1x64xi32, #tpu.memory_space<vmem>> -> memref<64xi32, #tpu.memory_space<vmem>>
          %dma_wait3A_172 = arith.constant 0 : i32
          %dma_wait3A_173 = tpu.memref_slice %arg11[%dma_wait3A_172] : memref<10240xf32, #tpu.memory_space<vmem_shared>> -> memref<10240xf32, #tpu.memory_space<vmem_shared>>
          tpu.wait_indirect_dma semaphore(%run_scoped3A : memref<!tpu.dma_semaphore, #tpu.memory_space<semaphore_mem>>) src(%dma_wait3A_168 : memref<64xf32, #tpu.memory_space<vmem>>) dst(%dma_wait3A_173 : memref<10240xf32, #tpu.memory_space<vmem_shared>>)
          tpu.yield
        }) : () -> ()
        %add3A_132 = arith.constant 3 : i32
        %add3A_133 = arith.addi %mul3A_57, %add3A_132 : i32
        %ge3A_134 = arith.constant 2 : i32
        %ge3A_135 = arith.cmpi sge, %add3A_133, %ge3A_134 : i32
        %convert_element_type3A_136 = arith.extui %ge3A_135 : i1 to i32
        %cond3A_137 = arith.constant 0 : i32
        %cond3A_138 = arith.cmpi ne, %convert_element_type3A_136, %cond3A_137 : i32
        scf.if %cond3A_138 {
          %dma_wait3A_158 = arith.constant 0 : i32
          %dma_wait3A_159 = arith.constant 0 : i32
          %dma_wait3A_160 = tpu.memref_slice %arg2[%dma_wait3A_158, %dma_wait3A_159] : memref<10000x128xf32, #tpu.memory_space<hbm>> -> memref<64x128xf32, #tpu.memory_space<hbm>>
          %dma_wait3A_161 = arith.constant 0 : i32
          %dma_wait3A_162 = arith.constant 0 : i32
          %dma_wait3A_163 = tpu.memref_slice %arg2[%dma_wait3A_161, %dma_wait3A_162] : memref<10000x128xf32, #tpu.memory_space<hbm>> -> memref<64x128xf32, #tpu.memory_space<hbm>>
          tpu.wait_dma2 semaphore(%arg20 : memref<!tpu.dma_semaphore, #tpu.memory_space<semaphore_mem>>) src(%dma_wait3A_163 : memref<64x128xf32, #tpu.memory_space<hbm>>) dst(%arg16 : memref<64x128xf32, #tpu.memory_space<vmem>>)
        } else {
        }
        %add3A_139 = arith.constant 2 : i32
        %add3A_140 = arith.addi %add3A_133, %add3A_139 : i32
        %lt3A_141 = arith.constant 40 : i32
        %lt3A_142 = arith.cmpi slt, %add3A_140, %lt3A_141 : i32
        %convert_element_type3A_143 = arith.extui %lt3A_142 : i1 to i32
        %cond3A_144 = arith.constant 0 : i32
        %cond3A_145 = arith.cmpi ne, %convert_element_type3A_143, %cond3A_144 : i32
        scf.if %cond3A_145 {
          %add3A_158 = arith.constant 2 : i32
          %add3A_159 = arith.addi %add3A_133, %add3A_158 : i32
          %dma_start3A_160 = arith.constant 0 : i32
          %dma_start3A_161 = tpu.memref_slice %arg12[%add3A_159, %dma_start3A_160] : memref<40x64xi32, #tpu.memory_space<vmem>> -> memref<1x64xi32, #tpu.memory_space<vmem>>
          %dma_start3A_162 = tpu.memref_squeeze %dma_start3A_161 : memref<1x64xi32, #tpu.memory_space<vmem>> -> memref<64xi32, #tpu.memory_space<vmem>>
          %dma_start3A_163 = arith.constant 0 : i32
          %dma_start3A_164 = arith.constant 0 : i32
          %dma_start3A_165 = tpu.memref_slice %arg2[%dma_start3A_163, %dma_start3A_164] : memref<10000x128xf32, #tpu.memory_space<hbm>> -> memref<10000x128xf32, #tpu.memory_space<hbm>>
          tpu.enqueue_indirect_dma source(%dma_start3A_165 : memref<10000x128xf32, #tpu.memory_space<hbm>>) target(%arg16 : memref<64x128xf32, #tpu.memory_space<vmem>>) offsets(%dma_start3A_162 : memref<64xi32, #tpu.memory_space<vmem>>) semaphore(%arg19 : memref<!tpu.dma_semaphore, #tpu.memory_space<semaphore_mem>>)
        } else {
        }
        %dma_wait3A_146 = arith.constant 0 : i32
        %dma_wait3A_147 = arith.constant 0 : i32
        %dma_wait3A_148 = tpu.memref_slice %arg2[%dma_wait3A_146, %dma_wait3A_147] : memref<10000x128xf32, #tpu.memory_space<hbm>> -> memref<64x128xf32, #tpu.memory_space<hbm>>
        %dma_wait3A_149 = arith.constant 0 : i32
        %dma_wait3A_150 = arith.constant 0 : i32
        %dma_wait3A_151 = tpu.memref_slice %arg2[%dma_wait3A_149, %dma_wait3A_150] : memref<10000x128xf32, #tpu.memory_space<hbm>> -> memref<64x128xf32, #tpu.memory_space<hbm>>
        tpu.wait_dma2 semaphore(%arg19 : memref<!tpu.dma_semaphore, #tpu.memory_space<semaphore_mem>>) src(%dma_wait3A_151 : memref<64x128xf32, #tpu.memory_space<hbm>>) dst(%arg18 : memref<64x128xf32, #tpu.memory_space<vmem>>)
        %dma_start3A_152 = arith.constant 0 : i32
        %dma_start3A_153 = tpu.memref_slice %arg13[%add3A_133, %dma_start3A_152] : memref<40x64xi32, #tpu.memory_space<vmem>> -> memref<1x64xi32, #tpu.memory_space<vmem>>
        %dma_start3A_154 = tpu.memref_squeeze %dma_start3A_153 : memref<1x64xi32, #tpu.memory_space<vmem>> -> memref<64xi32, #tpu.memory_space<vmem>>
        %dma_start3A_155 = arith.constant 0 : i32
        %dma_start3A_156 = arith.constant 0 : i32
        %dma_start3A_157 = tpu.memref_slice %arg10[%dma_start3A_155, %dma_start3A_156] : memref<10240x128xf32, #tpu.memory_space<vmem_shared>> -> memref<10240x128xf32, #tpu.memory_space<vmem_shared>>
        tpu.enqueue_indirect_dma source(%arg18 : memref<64x128xf32, #tpu.memory_space<vmem>>) target(%dma_start3A_157 : memref<10240x128xf32, #tpu.memory_space<vmem_shared>>) offsets(%dma_start3A_154 : memref<64xi32, #tpu.memory_space<vmem>>) semaphore(%arg20 : memref<!tpu.dma_semaphore, #tpu.memory_space<semaphore_mem>>) {add = true}
        "tpu.region"() ({
          %run_scoped3A = tpu.sem_alloc : memref<!tpu.dma_semaphore, #tpu.memory_space<semaphore_mem>>
          %dma_start3A_158 = arith.constant 0 : i32
          %dma_start3A_159 = tpu.memref_slice %arg14[%add3A_133, %dma_start3A_158] : memref<40x64xf32, #tpu.memory_space<vmem>> -> memref<1x64xf32, #tpu.memory_space<vmem>>
          %dma_start3A_160 = tpu.memref_squeeze %dma_start3A_159 : memref<1x64xf32, #tpu.memory_space<vmem>> -> memref<64xf32, #tpu.memory_space<vmem>>
          %dma_start3A_161 = arith.constant 0 : i32
          %dma_start3A_162 = tpu.memref_slice %arg13[%add3A_133, %dma_start3A_161] : memref<40x64xi32, #tpu.memory_space<vmem>> -> memref<1x64xi32, #tpu.memory_space<vmem>>
          %dma_start3A_163 = tpu.memref_squeeze %dma_start3A_162 : memref<1x64xi32, #tpu.memory_space<vmem>> -> memref<64xi32, #tpu.memory_space<vmem>>
          %dma_start3A_164 = arith.constant 0 : i32
          %dma_start3A_165 = tpu.memref_slice %arg11[%dma_start3A_164] : memref<10240xf32, #tpu.memory_space<vmem_shared>> -> memref<10240xf32, #tpu.memory_space<vmem_shared>>
          tpu.enqueue_indirect_dma source(%dma_start3A_160 : memref<64xf32, #tpu.memory_space<vmem>>) target(%dma_start3A_165 : memref<10240xf32, #tpu.memory_space<vmem_shared>>) offsets(%dma_start3A_163 : memref<64xi32, #tpu.memory_space<vmem>>) semaphore(%run_scoped3A : memref<!tpu.dma_semaphore, #tpu.memory_space<semaphore_mem>>) {add = true}
          %dma_wait3A_166 = arith.constant 0 : i32
          %dma_wait3A_167 = tpu.memref_slice %arg14[%add3A_133, %dma_wait3A_166] : memref<40x64xf32, #tpu.memory_space<vmem>> -> memref<1x64xf32, #tpu.memory_space<vmem>>
          %dma_wait3A_168 = tpu.memref_squeeze %dma_wait3A_167 : memref<1x64xf32, #tpu.memory_space<vmem>> -> memref<64xf32, #tpu.memory_space<vmem>>
          %dma_wait3A_169 = arith.constant 0 : i32
          %dma_wait3A_170 = tpu.memref_slice %arg13[%add3A_133, %dma_wait3A_169] : memref<40x64xi32, #tpu.memory_space<vmem>> -> memref<1x64xi32, #tpu.memory_space<vmem>>
          %dma_wait3A_171 = tpu.memref_squeeze %dma_wait3A_170 : memref<1x64xi32, #tpu.memory_space<vmem>> -> memref<64xi32, #tpu.memory_space<vmem>>
          %dma_wait3A_172 = arith.constant 0 : i32
          %dma_wait3A_173 = tpu.memref_slice %arg11[%dma_wait3A_172] : memref<10240xf32, #tpu.memory_space<vmem_shared>> -> memref<10240xf32, #tpu.memory_space<vmem_shared>>
          tpu.wait_indirect_dma semaphore(%run_scoped3A : memref<!tpu.dma_semaphore, #tpu.memory_space<semaphore_mem>>) src(%dma_wait3A_168 : memref<64xf32, #tpu.memory_space<vmem>>) dst(%dma_wait3A_173 : memref<10240xf32, #tpu.memory_space<vmem_shared>>)
          tpu.yield
        }) : () -> ()
      }
      %scan3A_43 = arith.constant 10 : i32
      %dma_wait3A = arith.constant 0 : i32
      %dma_wait3A_44 = arith.constant 0 : i32
      %dma_wait3A_45 = tpu.memref_slice %arg2[%dma_wait3A, %dma_wait3A_44] : memref<10000x128xf32, #tpu.memory_space<hbm>> -> memref<64x128xf32, #tpu.memory_space<hbm>>
      %dma_wait3A_46 = arith.constant 0 : i32
      %dma_wait3A_47 = arith.constant 0 : i32
      %dma_wait3A_48 = tpu.memref_slice %arg2[%dma_wait3A_46, %dma_wait3A_47] : memref<10000x128xf32, #tpu.memory_space<hbm>> -> memref<64x128xf32, #tpu.memory_space<hbm>>
      tpu.wait_dma2 semaphore(%arg20 : memref<!tpu.dma_semaphore, #tpu.memory_space<semaphore_mem>>) src(%dma_wait3A_48 : memref<64x128xf32, #tpu.memory_space<hbm>>) dst(%arg17 : memref<64x128xf32, #tpu.memory_space<vmem>>)
      %dma_wait3A_49 = arith.constant 0 : i32
      %dma_wait3A_50 = arith.constant 0 : i32
      %dma_wait3A_51 = tpu.memref_slice %arg2[%dma_wait3A_49, %dma_wait3A_50] : memref<10000x128xf32, #tpu.memory_space<hbm>> -> memref<64x128xf32, #tpu.memory_space<hbm>>
      %dma_wait3A_52 = arith.constant 0 : i32
      %dma_wait3A_53 = arith.constant 0 : i32
      %dma_wait3A_54 = tpu.memref_slice %arg2[%dma_wait3A_52, %dma_wait3A_53] : memref<10000x128xf32, #tpu.memory_space<hbm>> -> memref<64x128xf32, #tpu.memory_space<hbm>>
      tpu.wait_dma2 semaphore(%arg20 : memref<!tpu.dma_semaphore, #tpu.memory_space<semaphore_mem>>) src(%dma_wait3A_54 : memref<64x128xf32, #tpu.memory_space<hbm>>) dst(%arg18 : memref<64x128xf32, #tpu.memory_space<vmem>>)
    }
    %scan3A_11 = arith.constant 4 : i32
    %barrier3A_12 = arith.constant 0 : index
    tpu.barrier barrier_id(%barrier3A_12)
    %mul3A_13 = arith.constant 640 : i32
    %mul3A_14 = arith.muli %arg1, %mul3A_13 : i32
    %mul3A_15 = arith.constant 640 : i32
    %mul3A_16 = arith.muli %arg1, %mul3A_15 : i32
    "tpu.region"() ({
      %run_scoped3A = tpu.sem_alloc : memref<!tpu.dma_semaphore, #tpu.memory_space<semaphore_mem>>
      %dma_start3A = arith.constant 0 : i32
      %dma_start3A_21 = tpu.memref_slice %arg8[%arg0, %mul3A_16, %dma_start3A] : memref<2x10240x128xf32, #tpu.memory_space<hbm>> -> memref<1x640x128xf32, #tpu.memory_space<hbm>>
      %dma_start3A_22 = tpu.memref_squeeze %dma_start3A_21 : memref<1x640x128xf32, #tpu.memory_space<hbm>> -> memref<640x128xf32, #tpu.memory_space<hbm>>
      %dma_start3A_23 = arith.constant 0 : i32
      %dma_start3A_24 = tpu.memref_slice %arg10[%mul3A_14, %dma_start3A_23] : memref<10240x128xf32, #tpu.memory_space<vmem_shared>> -> memref<640x128xf32, #tpu.memory_space<vmem_shared>>
      tpu.enqueue_dma source(%dma_start3A_24 : memref<640x128xf32, #tpu.memory_space<vmem_shared>>) target(%dma_start3A_22 : memref<640x128xf32, #tpu.memory_space<hbm>>) target_semaphore(%run_scoped3A : memref<!tpu.dma_semaphore, #tpu.memory_space<semaphore_mem>>)
      %dma_wait3A = arith.constant 0 : i32
      %dma_wait3A_25 = tpu.memref_slice %arg8[%arg0, %mul3A_16, %dma_wait3A] : memref<2x10240x128xf32, #tpu.memory_space<hbm>> -> memref<1x640x128xf32, #tpu.memory_space<hbm>>
      %dma_wait3A_26 = tpu.memref_squeeze %dma_wait3A_25 : memref<1x640x128xf32, #tpu.memory_space<hbm>> -> memref<640x128xf32, #tpu.memory_space<hbm>>
      %dma_wait3A_27 = arith.constant 0 : i32
      %dma_wait3A_28 = tpu.memref_slice %arg10[%mul3A_14, %dma_wait3A_27] : memref<10240x128xf32, #tpu.memory_space<vmem_shared>> -> memref<640x128xf32, #tpu.memory_space<vmem_shared>>
      tpu.wait_dma2 semaphore(%run_scoped3A : memref<!tpu.dma_semaphore, #tpu.memory_space<semaphore_mem>>) src(%dma_wait3A_28 : memref<640x128xf32, #tpu.memory_space<vmem_shared>>) dst(%dma_wait3A_26 : memref<640x128xf32, #tpu.memory_space<hbm>>)
      tpu.yield
    }) : () -> ()
    %mul3A_17 = arith.constant 640 : i32
    %mul3A_18 = arith.muli %arg1, %mul3A_17 : i32
    %mul3A_19 = arith.constant 640 : i32
    %mul3A_20 = arith.muli %arg1, %mul3A_19 : i32
    "tpu.region"() ({
      %run_scoped3A = tpu.sem_alloc : memref<!tpu.dma_semaphore, #tpu.memory_space<semaphore_mem>>
      %dma_start3A = tpu.memref_slice %arg9[%arg0, %mul3A_20] : memref<2x10240xf32, #tpu.memory_space<hbm>> -> memref<1x640xf32, #tpu.memory_space<hbm>>
      %dma_start3A_21 = tpu.memref_squeeze %dma_start3A : memref<1x640xf32, #tpu.memory_space<hbm>> -> memref<640xf32, #tpu.memory_space<hbm>>
      %dma_start3A_22 = tpu.memref_slice %arg11[%mul3A_18] : memref<10240xf32, #tpu.memory_space<vmem_shared>> -> memref<640xf32, #tpu.memory_space<vmem_shared>>
      tpu.enqueue_dma source(%dma_start3A_22 : memref<640xf32, #tpu.memory_space<vmem_shared>>) target(%dma_start3A_21 : memref<640xf32, #tpu.memory_space<hbm>>) target_semaphore(%run_scoped3A : memref<!tpu.dma_semaphore, #tpu.memory_space<semaphore_mem>>)
      %dma_wait3A = tpu.memref_slice %arg9[%arg0, %mul3A_20] : memref<2x10240xf32, #tpu.memory_space<hbm>> -> memref<1x640xf32, #tpu.memory_space<hbm>>
      %dma_wait3A_23 = tpu.memref_squeeze %dma_wait3A : memref<1x640xf32, #tpu.memory_space<hbm>> -> memref<640xf32, #tpu.memory_space<hbm>>
      %dma_wait3A_24 = tpu.memref_slice %arg11[%mul3A_18] : memref<10240xf32, #tpu.memory_space<vmem_shared>> -> memref<640xf32, #tpu.memory_space<vmem_shared>>
      tpu.wait_dma2 semaphore(%run_scoped3A : memref<!tpu.dma_semaphore, #tpu.memory_space<semaphore_mem>>) src(%dma_wait3A_24 : memref<640xf32, #tpu.memory_space<vmem_shared>>) dst(%dma_wait3A_23 : memref<640xf32, #tpu.memory_space<hbm>>)
      tpu.yield
    }) : () -> ()
    return
  }
}

module attributes {stable_mosaic.version = 14 : i64} {
  func.func @body(%arg0: i32, %arg1: memref<2x2000x128xf32, #tpu.memory_space<vmem>>, %arg2: memref<2x2000x1xf32, #tpu.memory_space<vmem>>, %arg3: memref<1x128xf32, #tpu.memory_space<vmem>>, %arg4: memref<2000x129xf32, #tpu.memory_space<vmem>>) attributes {dimension_semantics = [#tpu.dimension_semantics<arbitrary>], iteration_bounds = array<i64: 5>, scalar_prefetch = 0 : i64, scratch_operands = 0 : i64, tpu.core_type = #tpu.core_type<tc>, window_params = [{transform_indices = @transform_0, window_bounds = array<i64: 2, 2000, 128>}, {transform_indices = @transform_1, window_bounds = array<i64: 2, 2000, 1>}, {pipeline_mode = #tpu.pipeline_mode<synchronous>, transform_indices = @transform_2, window_bounds = array<i64: 1, 128>}, {transform_indices = @transform_3, window_bounds = array<i64: 2000, 129>}]} {
    %get3A = arith.constant 0 : index
    %get3A_0 = arith.constant 0 : index
    %get3A_1 = arith.constant 0 : index
    %get3A_2 = vector.load %arg1[%get3A, %get3A_0, %get3A_1] : memref<2x2000x128xf32, #tpu.memory_space<vmem>>, vector<1x2000x128xf32>
    %get3A_3 = vector.shape_cast %get3A_2 : vector<1x2000x128xf32> to vector<2000x128xf32>
    %get3A_4 = arith.constant 1 : index
    %get3A_5 = arith.constant 0 : index
    %get3A_6 = arith.constant 0 : index
    %get3A_7 = vector.load %arg1[%get3A_4, %get3A_5, %get3A_6] : memref<2x2000x128xf32, #tpu.memory_space<vmem>>, vector<1x2000x128xf32>
    %get3A_8 = vector.shape_cast %get3A_7 : vector<1x2000x128xf32> to vector<2000x128xf32>
    %add3A = arith.addf %get3A_3, %get3A_8 : vector<2000x128xf32>
    %get3A_9 = arith.constant 0 : index
    %get3A_10 = arith.constant 0 : index
    %get3A_11 = vector.load %arg3[%get3A_9, %get3A_10] : memref<1x128xf32, #tpu.memory_space<vmem>>, vector<1x128xf32>
    %mul3A = vector.broadcast %get3A_11 : vector<1x128xf32> to vector<2000x128xf32>
    %mul3A_12 = arith.mulf %add3A, %mul3A : vector<2000x128xf32>
    %swap3A = arith.constant 0 : index
    %swap3A_13 = arith.constant 0 : index
    %swap3A_14 = vector.load %arg4[%swap3A, %swap3A_13] : memref<2000x129xf32, #tpu.memory_space<vmem>>, vector<2000x128xf32>
    tpu.vector_store %arg4[%swap3A, %swap3A_13], %mul3A_12 {strides = array<i32>} : memref<2000x129xf32, #tpu.memory_space<vmem>>, vector<2000x128xf32>,
    %get3A_15 = arith.constant 0 : index
    %get3A_16 = arith.constant 0 : index
    %get3A_17 = arith.constant 0 : index
    %get3A_18 = vector.load %arg2[%get3A_15, %get3A_16, %get3A_17] : memref<2x2000x1xf32, #tpu.memory_space<vmem>>, vector<1x2000x1xf32>
    %get3A_19 = vector.shape_cast %get3A_18 : vector<1x2000x1xf32> to vector<2000x1xf32>
    %get3A_20 = arith.constant 1 : index
    %get3A_21 = arith.constant 0 : index
    %get3A_22 = arith.constant 0 : index
    %get3A_23 = vector.load %arg2[%get3A_20, %get3A_21, %get3A_22] : memref<2x2000x1xf32, #tpu.memory_space<vmem>>, vector<1x2000x1xf32>
    %get3A_24 = vector.shape_cast %get3A_23 : vector<1x2000x1xf32> to vector<2000x1xf32>
    %add3A_25 = arith.addf %get3A_19, %get3A_24 : vector<2000x1xf32>
    %swap3A_26 = arith.constant 0 : index
    %swap3A_27 = arith.constant 128 : index
    %swap3A_28 = vector.load %arg4[%swap3A_26, %swap3A_27] : memref<2000x129xf32, #tpu.memory_space<vmem>>, vector<2000x1xf32>
    tpu.vector_store %arg4[%swap3A_26, %swap3A_27], %add3A_25 {strides = array<i32>} : memref<2000x129xf32, #tpu.memory_space<vmem>>, vector<2000x1xf32>,
    return
  }
  func.func @transform_0(%arg0: i32) -> (i32, i32, i32) {
    %c0_i32 = arith.constant 0 : i32
    %c0_i32_0 = arith.constant 0 : i32
    %c0_i32_1 = arith.constant 0 : i32
    return %c0_i32, %arg0, %c0_i32_0 : i32, i32, i32
  }
  func.func @transform_1(%arg0: i32) -> (i32, i32, i32) {
    %c0_i32 = arith.constant 0 : i32
    %c0_i32_0 = arith.constant 0 : i32
    %c0_i32_1 = arith.constant 0 : i32
    return %c0_i32, %arg0, %c0_i32_0 : i32, i32, i32
  }
  func.func @transform_2(%arg0: i32) -> (i32, i32) {
    %c0_i32 = arith.constant 0 : i32
    %c0_i32_0 = arith.constant 0 : i32
    %c0_i32_1 = arith.constant 0 : i32
    return %c0_i32, %c0_i32_0 : i32, i32
  }
  func.func @transform_3(%arg0: i32) -> (i32, i32) {
    %c0_i32 = arith.constant 0 : i32
    %c0_i32_0 = arith.constant 0 : i32
    return %arg0, %c0_i32 : i32, i32
  }
}

</mosaic_0001>

<sc_bundles>
// kernel: kernel.4.cloned.1.call-start
scs
__scs_entry_jumppad:
0x0: {  	(pc) =	sbr.rel $0x88, $3  }
0x1: {  	(tag) =	ssettag $0x0;
	lr =	simm.s32 $0x1  }
0x2: {  	[smem:$0x3F9D] =	sst lr;
	_ =	strace $0xD0000000  }
0x3: {  	_ = 	snop  }
0x4: {  	_ = 	snop  }
0x5: {  	_ = 	snop  }
0x6: {  	_ = 	snop  }
0x7: {  	_ = 	snop  }
__scs_overlays_trampoline_lowered:
0x8: {  	[smem:$0x3FAC] =	sst s0  }
0x9: {  	[smem:$0x3FAD] =	sst s1  }
0xa: {  	[smem:$0x3FAE] =	sst s2  }
0xb: {  	[smem:$0x3FAF] =	sst s3  }
0xc: {  	[smem:$0x3FB0] =	sst s4  }
0xd: {  	[smem:$0x3FB1] =	sst s5  }
0xe: {  	[smem:$0x3FB2] =	sst s6  }
0xf: {  	[smem:$0x3FB3] =	sst s7  }
0x10: {  	[smem:$0x3FB4] =	sst s8  }
0x11: {  	[smem:$0x3FB5] =	sst s9;
	s0 =	simm.s32 @!p0 $0x0  }
0x12: {  	s1 =	sld [smem:$0x3F9B];
	s0 =	simm.s32 @p0 $0x1  }
0x13: {  	[smem:$0x3FB6] =	sst s0;
	s0 =	simm.s32 @!p1 $0x0  }
0x14: {  	s2 =	sld [smem:$0x3F9A];
	s0 =	simm.s32 @p1 $0x1  }
0x15: {  	[smem:$0x3FB7] =	sst s0;
	s0 =	simm.s32 @!p2 $0x0  }
0x16: {  	s3 =	sld [smem:$0x3FDB];
	s0 =	simm.s32 @p2 $0x1  }
0x17: {  	s4 =	simm.s32 $0x1BF5;
	[smem:$0x3FB9] =	sst s0  }
0x18: {  	s0 =	sld [smem:$0x3F9C];
	_ =	swait.ge [sflag:s4], $0x0  }
0x19: {  	s7 =	sld [smem:$0x3F9D]  }
0x1a: {  	s8 =	sadd.s32 $0xFFFFE003, lr  }
0x1b: {  	s9 =	sadd.s32 $0xFFFFFEF7, lr;
	s5 =	simm.s32 $0xFFFFFFFF;
	p2 =	slt.u32 s8, $0xFFFFF086  }
0x1c: {  	p1 =	slt.u32 s9, $0xF7A;
	s5 =	simm.s32 @!p2 $0x0  }
0x1d: {  	s5 =	simm.s32 @p1 $0x1;
	p0 =	seq.s32 s7, s2  }
0x1e: {  	s7 =	smul.u32 @!p0 $0xF7A, s2;
	p2 =	seq.s32 @!p0 s5, $0x0  }
0x1f: {  	s9 =	smul.u32 $0xF7A, s1;
	s8 =	simm.s32 @!p0 $0x1BF5;
	p2 =	por !p2, p0  }
0x20: {  	[sflag:s8] =	ssyncset.s32 @!p0 $0xFFFFF086;
	s6 =	sadd.s32 @!p0 s3, s7;
	s7 =	simm.s32 @!p0 $0x108  }
0x21: {  	s3 =	sadd.s32 s3, s9;
	s6 =	sadd.s32 @!p0 $0x88, s6;
	s7 =	simm.s32 @p2 $0x1082  }
0x22: {  	[simem:s7], [sflag:s8] =	dma.local @!p0 [hbm:s6], $0xF7A  }
0x23: {  	s9 =	sor.u32 $0xD0000000, s2;
	s6 =	simm.s32 $0x108;
	_ =	swait.ge @!p0 [sflag:s8], $0x0  }
0x24: {  	s3 =	sadd.s32 $0x88, s3;
	s6 =	simm.s32 @!p1 $0x1082;
	[sflag:s4] =	ssyncset.s32 $0xFFFFF086  }
0x25: {  	[simem:s6], [sflag:s4] =	dma.local [hbm:s3], $0xF7A  }
0x26: {  	[smem:$0x3F9D] =	sst s1;
	(tag) =	ssettag s2;
	_ =	strace s9  }
0x27: {  	s1 =	sld [smem:$0x3FAD]  }
0x28: {  	s2 =	sld [smem:$0x3FAE]  }
0x29: {  	s4 =	sld [smem:$0x3FB0]  }
0x2a: {  	p0 =	seq.s32 s5, $0x0;
	s5 =	sld [smem:$0x3FB1]  }
0x2b: {  	s6 =	sld [smem:$0x3FB2]  }
0x2c: {  	s7 =	sld [smem:$0x3FB3]  }
0x2d: {  	s3 =	simm.s32 $0x108;
	s8 =	sld [smem:$0x3FB4]  }
0x2e: {  	s3 =	simm.s32 @!p0 $0x1082;
	s9 =	sld [smem:$0x3FB5]  }
0x2f: {  	lr =	sadd.s32 s0, s3;
	s0 =	sld [smem:$0x3FAC]  }
0x30: {  	s3 =	sld [smem:$0x3FAF]  }
0x31: {  	[smem:$0x3FB8] =	sst s10  }
0x32: {  	s10 =	sld [smem:$0x3FB6];
	_ =	sdelay $0x3  }
0x33: {  	p0 =	seq.s32 s10, $0x1;
	s10 =	sld [smem:$0x3FB8];
	_ =	sdelay $0x3  }
0x34: {  	[smem:$0x3FB8] =	sst s10  }
0x35: {  	s10 =	sld [smem:$0x3FB7];
	_ =	sdelay $0x3  }
0x36: {  	p1 =	seq.s32 s10, $0x1;
	s10 =	sld [smem:$0x3FB8];
	_ =	sdelay $0x3  }
0x37: {  	[smem:$0x3FB8] =	sst s10  }
0x38: {  	s10 =	sld [smem:$0x3FB9]  }
0x39: {  	_ = 	snop;
	(pc) =	sbr.ind lr, $3  }
0x3a: {  	_ = 	snop  }
0x3b: {  	_ = 	snop  }
0x3c: {  	p2 =	seq.s32 s10, $0x1;
	s10 =	sld [smem:$0x3FB8]  }
0x3d: {  	_ =	shalt  }
0x3e: {  	_ =	shalt  }
0x3f: {  	_ =	shalt  }
0x40: {  	_ =	shalt  }
0x41: {  	_ =	shalt  }
0x42: {  	_ =	shalt  }
0x43: {  	_ =	shalt  }
0x44: {  	_ =	shalt  }
0x45: {  	_ =	shalt  }
0x46: {  	_ =	shalt  }
0x47: {  	_ =	shalt  }
0x48: {  	_ =	shalt  }
0x49: {  	_ =	shalt  }
0x4a: {  	_ =	shalt  }
0x4b: {  	_ =	shalt  }
0x4c: {  	_ =	shalt  }
0x4d: {  	_ =	shalt  }
0x4e: {  	_ =	shalt  }
0x4f: {  	_ =	shalt  }
0x50: {  	_ =	shalt  }
0x51: {  	_ =	shalt  }
0x52: {  	_ =	shalt  }
0x53: {  	_ =	shalt  }
0x54: {  	_ =	shalt  }
0x55: {  	_ =	shalt  }
0x56: {  	_ =	shalt  }
0x57: {  	_ =	shalt  }
0x58: {  	_ =	shalt  }
0x59: {  	_ =	shalt  }
0x5a: {  	_ =	shalt  }
0x5b: {  	_ =	shalt  }
0x5c: {  	_ =	shalt  }
0x5d: {  	_ =	shalt  }
0x5e: {  	_ =	shalt  }
0x5f: {  	_ =	shalt  }
0x60: {  	_ =	shalt  }
0x61: {  	_ =	shalt  }
0x62: {  	_ =	shalt  }
0x63: {  	_ =	shalt  }
0x64: {  	_ =	shalt  }
0x65: {  	_ =	shalt  }
0x66: {  	_ =	shalt  }
0x67: {  	_ =	shalt  }
0x68: {  	_ =	shalt  }
0x69: {  	_ =	shalt  }
0x6a: {  	_ =	shalt  }
0x6b: {  	_ =	shalt  }
0x6c: {  	_ =	shalt  }
0x6d: {  	_ =	shalt  }
0x6e: {  	_ =	shalt  }
0x6f: {  	_ =	shalt  }
0x70: {  	_ =	shalt  }
0x71: {  	_ =	shalt  }
0x72: {  	_ =	shalt  }
0x73: {  	_ =	shalt  }
0x74: {  	_ =	shalt  }
0x75: {  	_ =	shalt  }
0x76: {  	_ =	shalt  }
0x77: {  	_ =	shalt  }
0x78: {  	_ =	shalt  }
0x79: {  	_ =	shalt  }
0x7a: {  	_ =	shalt  }
0x7b: {  	_ =	shalt  }
0x7c: {  	_ =	shalt  }
0x7d: {  	_ =	shalt  }
0x7e: {  	_ =	shalt  }
0x7f: {  	_ =	shalt  }
0x80: {  	_ =	shalt  }
0x81: {  	_ =	shalt  }
0x82: {  	_ =	shalt  }
0x83: {  	_ =	shalt  }
0x84: {  	_ =	shalt  }
0x85: {  	_ =	shalt  }
0x86: {  	_ =	shalt  }
0x87: {  	_ =	shalt  }
.Lfunc_end0:
.L_simem_size_0:
called_computation_lowered:
.L_overlay_start_0:
0x88: {  	s2 =	sld [smem:$0x3FD9]  }
0x89: {  	s3 =	sld [smem:$0x3FFE];
	_ =	sdelay $0x1  }
0x8a: {  	s1 =	srdreg.scid  }
0x8b: {  	s0 =	sand.u32 $0x1, s1  }
0x8c: {  	s17 =	sshll.u32 s0, $0xA;
	s2 =	sadd.s32 s3, s2  }
0x8d: {  	s2 =	sadd.s32 s2, s17  }
0x8e: {  	[smem:$0x3FC4] =	sst s2  }
0x8f: {  	_ = 	snop  }
0x90: {  	s2 =	sld [smem:$0x3FC9]  }
0x91: {  	s18 =	sld [smem:$0x3FD0];
	(tm) =	ssettm $0x1  }
0x92: {  	s4 =	sld [smem:$0x3FFB];
	_ =	sdelay $0x3  }
0x93: {  	_ =	strace s4  }
0x94: {  	s4 =	sld [smem:$0x3FFC];
	_ =	sdelay $0x3  }
0x95: {  	_ =	strace s4  }
0x96: {  	s4 =	sld [smem:$0x3FFD];
	_ =	sdelay $0x3  }
0x97: {  	_ =	strace s4  }
0x98: {  	_ =	strace $0x8FFFFFFF  }
0x99: {  	s19 =	sld [smem:$0x3FDB];
	_ =	sdelay $0x1  }
0x9a: {  	s5 =	simm.s32 $_scs_section_size  }
0x9b: {  	s6 =	simm.s32 $_size__tile_overlayer_lowered;
	s7 =	simm.s32 $_tile_overlayer_lowered  }
0x9c: {  	s22 =	simm.s32 $0x1BFF;
	s21 =	sshll.u32 s7, $0x1;
	s4 =	sadd.s32 s5, s19  }
0x9d: {  	s8 =	simm.s32 $0x0;
	s20 =	sshll.u32 s6, $0x1;
	s6 =	sadd.s32 s21, s4  }
0x9e: {  	[timem:s8], [sflag:s22] =	dma.local [hbm:s6], s20  }
0x9f: {  	_ =	swait.ge [sflag:s22], s20  }
0xa0: {  	s5 =	ssub.s32 $0x0, s20;
	[sflag:s22] =	ssyncset.done $0x0  }
0xa1: {  	[sflag:s22] =	ssyncadd.s32 s5;
	_ =	sdelay $0x1  }
0xa2: {  	s23 =	simm.s32 $0x1B8B  }
0xa3: {  	_ =	swait.ge [sflag:s23], $0x1  }
0xa4: {  	[sflag:s23] =	ssyncset.done $0x0  }
0xa5: {  	s25 =	simm.s32 $0x1B8E;
	s24 =	sld [smem:$0x3FFE];
	[sflag:s23] =	ssyncadd.s32 $0xFFFFFFFF  }
0xa6: {  	s26 =	simm.s32 $execute0_lowered;
	[smem:$0x3FD2] =	sst s25  }
0xa7: {  	s6 =	sshll.u32 s26, $0x1;
	_ =	strace $0x80000046;
	[dreg:$0x1] =	wrdreg $0xFFFFFFFF  }
0xa8: {  	s28 =	simm.s32 $_size_execute0_lowered;
	s4 =	sadd.s32 s4, s6;
	[dreg:$0x0] =	wrdreg $0x0  }
0xa9: {  	s6 =	sshll.u32 s28, $0x1;
	[dreg:$0x2] =	wrdreg s4  }
0xaa: {  	[dreg:$0x3] =	wrdreg s6  }
0xab: {  	[dreg:$0x4] =	wrdreg $0xC0  }
0xac: {  	_ =	task [dreg:s8], $0x5FFFF  }
0xad: {  	[dreg:$0x1] =	wrdreg $0xFFFFFFFF  }
0xae: {  	[dreg:$0x0] =	wrdreg $0x60  }
0xaf: {  	[dreg:$0x2] =	wrdreg s2  }
0xb0: {  	[dreg:$0x3] =	wrdreg s18  }
0xb1: {  	[dreg:$0x4] =	wrdreg s24  }
0xb2: {  	[dreg:$0x5] =	wrdreg $0x0  }
0xb3: {  	[dreg:$0x6] =	wrdreg $0x140000  }
0xb4: {  	[dreg:$0x7] =	wrdreg $0x9  }
0xb5: {  	_ =	task.clear_ibuf [dreg:s8], $0x8FFFF;
	_ =	strace $0x90000046  }
0xb6: {  	s29 =	simm.s32 $0x9;
	_ =	strace $0x80000048  }
0xb7: {  	_ =	swait.ge [sflag:s29], $0x1  }
0xb8: {  	[sflag:s29] =	ssyncadd.s32 $0xFFFFFFFF  }
0xb9: {  	_ =	strace $0x90000048  }
0xba: {  	_ =	sfence  }
0xbb: {  	s30 =	sld [smem:$0x0];
	_ =	sdelay $0x2  }
0xbc: {  	s31 =	sshll.u32 s1, $0xD;
	s1 =	sshrl.u32 s1, $0x2  }
0xbd: {  	s3 =	sand.u32 $0x4000, s31;
	s1 =	sadd.s32 s1, s30  }
0xbe: {  	s0 =	sor.u32 s3, s0;
	s1 =	sshll.u32 s1, $0x11  }
0xbf: {  	s0 =	sor.u32 s1, s0  }
0xc0: {  	s0 =	sadd.s32 $0x8F2B, s0  }
0xc1: {  	[sflag:s0] =	ssyncadd.remote.s32 $0x1  }
0xc2: {  	_ =	sfence.sel $0xFFFF  }
0xc3: {  	[dreg:$0x0] =	wrdreg $0xFFFFFFFF;
	(pc) =	sbr.abs _section_cstart, $3  }
0xc4: {  	[dreg:$0x1] =	wrdreg $0xFFFFFFFF  }
0xc5: {  	_ =	task.clear_ibuf [dreg:s8], $0x2FFFF;
	_ =	strace $0x9FFFFFFF  }
0xc6: {  	(tm) =	ssettm $0x7FFFFFFF  }
0xc7: {  	_ =	shalt  }
tec
execute0_lowered:
.L_overlay_start_1:
0x0: {  	(tag) =	ssettag $0x1  }
0x1: {  	s1 =	rddreg [dreg:$0x0]  }
0x2: {  	s2 =	rddreg [dreg:$0x1]  }
0x3: {  	s0 =	rddreg [dreg:$0x2]  }
0x4: {  	s3 =	rddreg [dreg:$0x3]  }
0x5: {  	s4 =	rddreg [dreg:$0x4]  }
0x6: {  	s6 =	simm.s32 $0x0;
	s5 =	srdreg.scid;
	s15 =	stileid.u32  }
0x7: {  	s17 =	simm.s32 $0x3;
	s28 =	simm.s32 $0x1;
	s10 =	smul.u32 $0x14000, s15  }
0x8: {  	s29 =	simm.s32 $0x1DE80;
	s30 =	simm.s32 $0x2;
	s20 =	smul.u32 $0x500, s15  }
0x9: {  	[smem:$0x7FF] =	sst s6;
	s5 =	sand.u32 $0x1, s5;
	s22 =	smul.u32 $0xA0, s15  }
0xa: {  	s7 =	sadd.s32 $0x14800, s0;
	s8 =	sadd.s32 $0x800, s0;
	s13 =	smul.u32 $0x50000, s15  }
0xb: {  	s11 =	sadd.s32 $0x28A00, s0;
	s19 =	sadd.s32 $0x28800, s0;
	s14 =	smul.u32 $0xA00, s15  }
0xc: {  	s25 =	sshll.u32 s15, $0x6;
	_ =	strace $0x80000047;
	[dreg:$0x6] =	wrdreg s11  }
0xd: {  	s9 =	smul.u32 $0x140000, s5;
	[dreg:$0x7] =	wrdreg s19;
	s21 =	sshll.u32 s5, $0x7  }
0xe: {  	s12 =	smul.u32 $0xA00, s5;
	s5 =	ssub.s32 $0x2, s5;
	s19 =	simm.s32 $0x14280  }
0xf: {  	s23 =	sshrl.u32 s5, $0x1;
	s24 =	sshrl.u32 s13, $0x2;
	s26 =	sshrl.u32 s14, $0x2  }
0x10: {  	s9 =	sadd.s32 s10, s9;
	s10 =	sor.u32 s21, s20;
	s5 =	ssub.s32 s5, s23  }
0x11: {  	s11 =	sadd.s32 s22, s12;
	s12 =	sor.u32 $0x1C03, s25;
	s18 =	sadd.s32 s26, s4  }
0x12: {  	s20 =	simm.s32 $0x15680;
	s21 =	simm.s32 $0x16A80;
	s22 =	simm.s32 $0x40  }
0x13: {  	s23 =	simm.s32 $0x17E80;
	s25 =	simm.s32 $0x19E80;
	s9 =	sshrl.u32 s9, $0x3  }
0x14: {  	s10 =	sshrl.u32 s10, $0x3;
	s31 =	smax.u32 s5, $0x1;
	s9 =	sadd.s32 s9, s0  }
0x15: {  	s0 =	sadd.s32 s10, s0;
	[dreg:$0xa] =	wrdreg s31;
	s9 =	sadd.s32 $0x2BC00, s9  }
0x16: {  	s26 =	simm.s32 $0x1BE80;
	s0 =	sadd.s32 $0x2B200, s0;
	[dreg:$0x8] =	wrdreg s9  }
0x17: {  	s10 =	sadd.s32 s24, s3;
	[dreg:$0x9] =	wrdreg s0;
	s9 =	sshrl.u32 s18, $0x3  }
0x18: {  	s24 =	simm.s32 $0x14300;
	s5 =	sshrl.u32 s10, $0x3;
	[dreg:$0xb] =	wrdreg s9  }
.LBB2_1:
0x19: {  	s0 =	rddreg [dreg:$0x6]  }
0x1a: {  	[spmem:s5], [sflag:s12] =	dma.local [hbm:s0], $0x2800  }
0x1b: {  	_ =	swait.ge [sflag:s17], $0x2800  }
0x1c: {  	[sflag:s17] =	ssyncset.done $0x0  }
0x1d: {  	s31 =	rddreg [dreg:$0x7];
	[sflag:s17] =	ssyncadd.s32 $0xFFFFD800  }
0x1e: {  	[spmem:s9], [sflag:s12] =	dma.local [hbm:s31], $0x50  }
0x1f: {  	_ =	swait.ge [sflag:s17], $0x50  }
0x20: {  	[sflag:s17] =	ssyncset.done $0x0  }
0x21: {  	[sflag:s17] =	ssyncadd.s32 $0xFFFFFFB0  }
0x22: {  	s18 =	smov.u32 s5;
	s5 =	simm.s32 $0x0;
	[bflag:$0x0] =	sbarrier.arrive $0xFFFF  }
.LBB2_2:
0x23: {  	s0 =	smul.u32 $0x28, s5;
	_ =	sdelay $0x1  }
0x24: {  	s0 =	sadd.s32 s0, s11  }
0x25: {  	s0 =	sshll.u32 s0, $0x4  }
0x26: {  	s10 =	simm.s32 $0x0;
	s9 =	sadd.s32 s2, s0  }
0x27: {  	[tilespmem:s19], [sflag:$0x3] =	stream.linear.gather [hbm4b:s9+s10], $0x1400, $0x38;
	[tilespmem:$0x1FE80] =	vst v63  }
0x28: {  	_ =	swait.ge [sflag:s17], $0x1400  }
0x29: {  	[sflag:s17] =	ssyncset.done $0x0  }
0x2a: {  	s16 =	sadd.s32 s7, s0;
	[sflag:s17] =	ssyncadd.s32 $0xFFFFEC00  }
0x2b: {  	[tilespmem:s20], [sflag:$0x3] =	stream.linear.gather [hbm4b:s16+s10], $0x1400, $0x38;
	[tilespmem:$0x1FE80] =	vst v63  }
0x2c: {  	_ =	swait.ge [sflag:s17], $0x1400  }
0x2d: {  	[sflag:s17] =	ssyncset.done $0x0  }
0x2e: {  	s0 =	sadd.s32 s8, s0;
	[sflag:s17] =	ssyncadd.s32 $0xFFFFEC00  }
0x2f: {  	[tilespmem:s21], [sflag:$0x3] =	stream.linear.gather [hbm4b:s0+s10], $0x1400, $0x38;
	[tilespmem:$0x1FE80] =	vst v63  }
0x30: {  	_ =	swait.ge [sflag:s17], $0x1400  }
0x31: {  	[sflag:s17] =	ssyncset.done $0x0  }
0x32: {  	p0 =	por $0x1, $0x1;
	[sflag:s17] =	ssyncadd.s32 $0xFFFFEC00  }
0x33: {  	[tilespmem:s23], [sflag:$0x1] =	stream.indirect.gather [hbm4b:s1+s22], $0x80, s19, s22, $0xb8;
	[tilespmem:$0x1FE80] =	vst v63  }
0x34: {  	s0 =	simm.s32 @!p0 $0x2  }
0x35: {  	[tilespmem:s25], [sflag:$0x1] =	stream.indirect.gather [hbm4b:s1+s22], $0x80, s24, s22, $0xb8;
	[tilespmem:$0x1FE80] =	vst v63  }
0x36: {  	_ =	swait.ge @!p0 [sflag:s0], $0x2000  }
0x37: {  	[sflag:s0] =	ssyncset.done @!p0 $0x0  }
0x38: {  	s13 =	simm.s32 $0x14380;
	[sflag:s0] =	ssyncadd.s32 @!p0 $0xFFFFE000  }
0x39: {  	[tilespmem:s26], [sflag:$0x1] =	stream.indirect.gather [hbm4b:s1+s22], $0x80, s13, s22, $0xb8;
	[tilespmem:$0x1FE80] =	vst v63  }
0x3a: {  	_ =	swait.ge [sflag:s28], $0x2000  }
0x3b: {  	[sflag:s28] =	ssyncset.done $0x0  }
0x3c: {  	s14 =	simm.s32 $0x15680;
	[sflag:s28] =	ssyncadd.s32 $0xFFFFE000  }
0x3d: {  	[spmem:s3] =	stream.indirect.scatter.add.f32 [tilespmem:s23], [sflag:$0x2], $0x80, s14, s22, $0xb8;
	[tilespmem:$0x1FE80] =	vst v63  }
0x3e: {  	s15 =	simm.s32 $0x16A80  }
0x3f: {  	[spmem:s4] =	stream.indirect.scatter.add.f32 [tilespmem:s15], [sflag:$0x3], $0x1, s14, s22, $0xb8;
	[tilespmem:$0x1FE80] =	vst v63  }
0x40: {  	_ =	swait.ge [sflag:s17], $0x40  }
0x41: {  	[sflag:s17] =	ssyncset.done $0x0  }
0x42: {  	[sflag:s17] =	ssyncadd.s32 $0xFFFFFFC0  }
0x43: {  	_ =	swait.ge @!p0 [sflag:s0], $0x2000  }
0x44: {  	[sflag:s0] =	ssyncset.done @!p0 $0x0  }
0x45: {  	s16 =	simm.s32 $0x14400;
	[sflag:s0] =	ssyncadd.s32 @!p0 $0xFFFFE000  }
0x46: {  	[tilespmem:s29], [sflag:$0x1] =	stream.indirect.gather [hbm4b:s1+s22], $0x80, s16, s22, $0xb8;
	[tilespmem:$0x1FE80] =	vst v63  }
0x47: {  	_ =	swait.ge [sflag:s28], $0x2000  }
0x48: {  	[sflag:s28] =	ssyncset.done $0x0  }
0x49: {  	s9 =	simm.s32 $0x15700;
	[sflag:s28] =	ssyncadd.s32 $0xFFFFE000  }
0x4a: {  	[spmem:s3] =	stream.indirect.scatter.add.f32 [tilespmem:s25], [sflag:$0x2], $0x80, s9, s22, $0xb8;
	[tilespmem:$0x1FE80] =	vst v63  }
0x4b: {  	s10 =	simm.s32 $0x16B00  }
0x4c: {  	[spmem:s4] =	stream.indirect.scatter.add.f32 [tilespmem:s10], [sflag:$0x3], $0x1, s9, s22, $0xb8;
	[tilespmem:$0x1FE80] =	vst v63  }
0x4d: {  	_ =	swait.ge [sflag:s17], $0x40  }
0x4e: {  	[sflag:s17] =	ssyncset.done $0x0  }
0x4f: {  	[sflag:s17] =	ssyncadd.s32 $0xFFFFFFC0  }
0x50: {  	p0 =	por $0x0, $0x0;
	_ =	swait.ge [sflag:s30], $0x2000  }
0x51: {  	s0 =	simm.s32 @!p0 $0x17E80;
	[sflag:s30] =	ssyncset.done $0x0  }
0x52: {  	s9 =	simm.s32 @!p0 $0x14480;
	s10 =	simm.s32 @!p0 $0x40;
	[sflag:s30] =	ssyncadd.s32 $0xFFFFE000  }
0x53: {  	[tilespmem:s0], [sflag:$0x1] =	stream.indirect.gather @!p0 [hbm4b:s1+s10], $0x80, s9, s10, $0xb8;
	[tilespmem:$0x1FE80] =	vst v63  }
0x54: {  	_ =	swait.ge [sflag:s28], $0x2000  }
0x55: {  	[sflag:s28] =	ssyncset.done $0x0  }
0x56: {  	s13 =	simm.s32 $0x15780;
	[sflag:s28] =	ssyncadd.s32 $0xFFFFE000  }
0x57: {  	[spmem:s3] =	stream.indirect.scatter.add.f32 [tilespmem:s26], [sflag:$0x2], $0x80, s13, s22, $0xb8;
	[tilespmem:$0x1FE80] =	vst v63  }
0x58: {  	s14 =	simm.s32 $0x16B80  }
0x59: {  	[spmem:s4] =	stream.indirect.scatter.add.f32 [tilespmem:s14], [sflag:$0x3], $0x1, s13, s22, $0xb8;
	[tilespmem:$0x1FE80] =	vst v63  }
0x5a: {  	_ =	swait.ge [sflag:s17], $0x40  }
0x5b: {  	[sflag:s17] =	ssyncset.done $0x0  }
0x5c: {  	[sflag:s17] =	ssyncadd.s32 $0xFFFFFFC0  }
0x5d: {  	_ =	swait.ge [sflag:s30], $0x2000  }
0x5e: {  	[sflag:s30] =	ssyncset.done $0x0  }
0x5f: {  	s0 =	simm.s32 @!p0 $0x14500;
	s9 =	simm.s32 @!p0 $0x19E80;
	[sflag:s30] =	ssyncadd.s32 $0xFFFFE000  }
0x60: {  	[tilespmem:s9], [sflag:$0x1] =	stream.indirect.gather @!p0 [hbm4b:s1+s10], $0x80, s0, s10, $0xb8;
	[tilespmem:$0x1FE80] =	vst v63  }
0x61: {  	_ =	swait.ge [sflag:s28], $0x2000  }
0x62: {  	[sflag:s28] =	ssyncset.done $0x0  }
0x63: {  	s15 =	simm.s32 $0x15800;
	[sflag:s28] =	ssyncadd.s32 $0xFFFFE000  }
0x64: {  	[spmem:s3] =	stream.indirect.scatter.add.f32 [tilespmem:s29], [sflag:$0x2], $0x80, s15, s22, $0xb8;
	[tilespmem:$0x1FE80] =	vst v63  }
0x65: {  	s16 =	simm.s32 $0x16C00  }
0x66: {  	[spmem:s4] =	stream.indirect.scatter.add.f32 [tilespmem:s16], [sflag:$0x3], $0x1, s15, s22, $0xb8;
	[tilespmem:$0x1FE80] =	vst v63  }
0x67: {  	_ =	swait.ge [sflag:s17], $0x40  }
0x68: {  	s31 =	simm.s32 $0x800;
	s0 =	simm.s32 $0x1000;
	[sflag:s17] =	ssyncset.done $0x0  }
.LBB2_3:
0x69: {  	p1 =	seq.s32 s31, $0x0  }
0x6a: {  	[sflag:s17] =	ssyncadd.s32 $0xFFFFFFC0;
	s10 =	smov.u32 s0;
	s0 =	sadd.s32 $0x800, s0  }
0x6b: {  	p0 =	sne.s32 s0, $0x5000;
	s13 =	simm.s32 @!p1 $0x2  }
0x6c: {  	_ =	swait.ge @!p1 [sflag:s13], $0x2000  }
0x6d: {  	s9 =	sshra.s32 s31, $0x2;
	[sflag:s13] =	ssyncset.done @!p1 $0x0  }
0x6e: {  	s14 =	sadd.s32 $0x14380, s9;
	[sflag:s13] =	ssyncadd.s32 @!p1 $0xFFFFE000  }
0x6f: {  	[tilespmem:s26], [sflag:$0x1] =	stream.indirect.gather [hbm4b:s1+s22], $0x80, s14, s22, $0xb8;
	[tilespmem:$0x1FE80] =	vst v63  }
0x70: {  	_ =	swait.ge [sflag:s28], $0x2000  }
0x71: {  	[sflag:s28] =	ssyncset.done $0x0  }
0x72: {  	s14 =	sadd.s32 $0x15680, s9;
	[sflag:s28] =	ssyncadd.s32 $0xFFFFE000  }
0x73: {  	[spmem:s3] =	stream.indirect.scatter.add.f32 [tilespmem:s23], [sflag:$0x2], $0x80, s14, s22, $0xb8;
	[tilespmem:$0x1FE80] =	vst v63  }
0x74: {  	s15 =	sadd.s32 $0x16A80, s9  }
0x75: {  	[spmem:s4] =	stream.indirect.scatter.add.f32 [tilespmem:s15], [sflag:$0x3], $0x1, s14, s22, $0xb8;
	[tilespmem:$0x1FE80] =	vst v63  }
0x76: {  	_ =	swait.ge [sflag:s17], $0x40  }
0x77: {  	[sflag:s17] =	ssyncset.done $0x0  }
0x78: {  	[sflag:s17] =	ssyncadd.s32 $0xFFFFFFC0  }
0x79: {  	_ =	swait.ge @!p1 [sflag:s13], $0x2000  }
0x7a: {  	[sflag:s13] =	ssyncset.done @!p1 $0x0  }
0x7b: {  	[sflag:s13] =	ssyncadd.s32 @!p1 $0xFFFFE000;
	s13 =	sadd.s32 $0x14400, s9  }
0x7c: {  	[tilespmem:s29], [sflag:$0x1] =	stream.indirect.gather [hbm4b:s1+s22], $0x80, s13, s22, $0xb8;
	[tilespmem:$0x1FE80] =	vst v63  }
0x7d: {  	_ =	swait.ge [sflag:s28], $0x2000  }
0x7e: {  	[sflag:s28] =	ssyncset.done $0x0  }
0x7f: {  	s13 =	sadd.s32 $0x15700, s9;
	[sflag:s28] =	ssyncadd.s32 $0xFFFFE000  }
0x80: {  	[spmem:s3] =	stream.indirect.scatter.add.f32 [tilespmem:s25], [sflag:$0x2], $0x80, s13, s22, $0xb8;
	[tilespmem:$0x1FE80] =	vst v63  }
0x81: {  	s14 =	sadd.s32 $0x16B00, s9  }
0x82: {  	[spmem:s4] =	stream.indirect.scatter.add.f32 [tilespmem:s14], [sflag:$0x3], $0x1, s13, s22, $0xb8;
	[tilespmem:$0x1FE80] =	vst v63  }
0x83: {  	_ =	swait.ge [sflag:s17], $0x40  }
0x84: {  	[sflag:s17] =	ssyncset.done $0x0  }
0x85: {  	[sflag:s17] =	ssyncadd.s32 $0xFFFFFFC0  }
0x86: {  	p1 =	seq.s32 s31, $0x4800;
	_ =	swait.ge [sflag:s30], $0x2000  }
0x87: {  	s13 =	sshra.s32 @!p1 s31, $0x2;
	s14 =	simm.s32 @!p1 $0x17E80;
	[sflag:s30] =	ssyncset.done $0x0  }
0x88: {  	s16 =	simm.s32 @!p1 $0x40;
	s15 =	sadd.s32 @!p1 $0x14480, s13;
	[sflag:s30] =	ssyncadd.s32 $0xFFFFE000  }
0x89: {  	[tilespmem:s14], [sflag:$0x1] =	stream.indirect.gather @!p1 [hbm4b:s1+s16], $0x80, s15, s16, $0xb8;
	[tilespmem:$0x1FE80] =	vst v63  }
0x8a: {  	s31 =	smov.u32 s10;
	_ =	swait.ge [sflag:s28], $0x2000  }
0x8b: {  	[sflag:s28] =	ssyncset.done $0x0  }
0x8c: {  	s10 =	sadd.s32 $0x15780, s9;
	[sflag:s28] =	ssyncadd.s32 $0xFFFFE000  }
0x8d: {  	[spmem:s3] =	stream.indirect.scatter.add.f32 [tilespmem:s26], [sflag:$0x2], $0x80, s10, s22, $0xb8;
	[tilespmem:$0x1FE80] =	vst v63  }
0x8e: {  	s14 =	sadd.s32 $0x16B80, s9  }
0x8f: {  	[spmem:s4] =	stream.indirect.scatter.add.f32 [tilespmem:s14], [sflag:$0x3], $0x1, s10, s22, $0xb8;
	[tilespmem:$0x1FE80] =	vst v63  }
0x90: {  	_ =	swait.ge [sflag:s17], $0x40  }
0x91: {  	[sflag:s17] =	ssyncset.done $0x0  }
0x92: {  	[sflag:s17] =	ssyncadd.s32 $0xFFFFFFC0  }
0x93: {  	_ =	swait.ge [sflag:s30], $0x2000  }
0x94: {  	[sflag:s30] =	ssyncset.done $0x0  }
0x95: {  	s10 =	sadd.s32 @!p1 $0x14500, s13;
	s13 =	simm.s32 @!p1 $0x19E80;
	[sflag:s30] =	ssyncadd.s32 $0xFFFFE000  }
0x96: {  	[tilespmem:s13], [sflag:$0x1] =	stream.indirect.gather @!p1 [hbm4b:s1+s16], $0x80, s10, s16, $0xb8;
	[tilespmem:$0x1FE80] =	vst v63  }
0x97: {  	_ =	swait.ge [sflag:s28], $0x2000  }
0x98: {  	[sflag:s28] =	ssyncset.done $0x0  }
0x99: {  	s10 =	sadd.s32 $0x15800, s9;
	[sflag:s28] =	ssyncadd.s32 $0xFFFFE000  }
0x9a: {  	[spmem:s3] =	stream.indirect.scatter.add.f32 [tilespmem:s29], [sflag:$0x2], $0x80, s10, s22, $0xb8;
	[tilespmem:$0x1FE80] =	vst v63  }
.Ltmp0:
0x9b: {  	_ = 	snop;
	(pc) =	sbr.rel @p0 .LBB2_3-.Ltmp0, $4  }
0x9c: {  	s9 =	sadd.s32 $0x16C00, s9  }
0x9d: {  	[spmem:s4] =	stream.indirect.scatter.add.f32 [tilespmem:s9], [sflag:$0x3], $0x1, s10, s22, $0xb8;
	[tilespmem:$0x1FE80] =	vst v63  }
0x9e: {  	_ =	swait.ge [sflag:s17], $0x40  }
0x9f: {  	[sflag:s17] =	ssyncset.done $0x0  }
0xa0: {  	p0 =	seq.s32 s31, $0x0  }
0xa1: {  	[sflag:s17] =	ssyncadd.s32 $0xFFFFFFC0;
	s0 =	simm.s32 @!p0 $0x2  }
0xa2: {  	_ =	swait.ge @!p0 [sflag:s0], $0x2000  }
0xa3: {  	s9 =	sshra.s32 s31, $0x2;
	[sflag:s0] =	ssyncset.done @!p0 $0x0  }
0xa4: {  	s10 =	sadd.s32 $0x14380, s9;
	[sflag:s0] =	ssyncadd.s32 @!p0 $0xFFFFE000  }
0xa5: {  	[tilespmem:s26], [sflag:$0x1] =	stream.indirect.gather [hbm4b:s1+s22], $0x80, s10, s22, $0xb8;
	[tilespmem:$0x1FE80] =	vst v63  }
0xa6: {  	_ =	swait.ge [sflag:s28], $0x2000  }
0xa7: {  	[sflag:s28] =	ssyncset.done $0x0  }
0xa8: {  	s16 =	sadd.s32 $0x15680, s9;
	[sflag:s28] =	ssyncadd.s32 $0xFFFFE000  }
0xa9: {  	[spmem:s3] =	stream.indirect.scatter.add.f32 [tilespmem:s23], [sflag:$0x2], $0x80, s16, s22, $0xb8;
	[tilespmem:$0x1FE80] =	vst v63  }
0xaa: {  	s13 =	sadd.s32 $0x16A80, s9  }
0xab: {  	[spmem:s4] =	stream.indirect.scatter.add.f32 [tilespmem:s13], [sflag:$0x3], $0x1, s16, s22, $0xb8;
	[tilespmem:$0x1FE80] =	vst v63  }
0xac: {  	_ =	swait.ge [sflag:s17], $0x40  }
0xad: {  	[sflag:s17] =	ssyncset.done $0x0  }
0xae: {  	[sflag:s17] =	ssyncadd.s32 $0xFFFFFFC0  }
0xaf: {  	_ =	swait.ge @!p0 [sflag:s0], $0x2000  }
0xb0: {  	[sflag:s0] =	ssyncset.done @!p0 $0x0  }
0xb1: {  	s10 =	sadd.s32 $0x14400, s9;
	[sflag:s0] =	ssyncadd.s32 @!p0 $0xFFFFE000  }
0xb2: {  	[tilespmem:s29], [sflag:$0x1] =	stream.indirect.gather [hbm4b:s1+s22], $0x80, s10, s22, $0xb8;
	[tilespmem:$0x1FE80] =	vst v63  }
0xb3: {  	_ =	swait.ge [sflag:s28], $0x2000  }
0xb4: {  	[sflag:s28] =	ssyncset.done $0x0  }
0xb5: {  	s13 =	sadd.s32 $0x15700, s9;
	[sflag:s28] =	ssyncadd.s32 $0xFFFFE000  }
0xb6: {  	[spmem:s3] =	stream.indirect.scatter.add.f32 [tilespmem:s25], [sflag:$0x2], $0x80, s13, s22, $0xb8;
	[tilespmem:$0x1FE80] =	vst v63  }
0xb7: {  	s14 =	sadd.s32 $0x16B00, s9  }
0xb8: {  	[spmem:s4] =	stream.indirect.scatter.add.f32 [tilespmem:s14], [sflag:$0x3], $0x1, s13, s22, $0xb8;
	[tilespmem:$0x1FE80] =	vst v63  }
0xb9: {  	_ =	swait.ge [sflag:s17], $0x40  }
0xba: {  	[sflag:s17] =	ssyncset.done $0x0  }
0xbb: {  	[sflag:s17] =	ssyncadd.s32 $0xFFFFFFC0  }
0xbc: {  	p0 =	seq.s32 s31, $0x4800;
	_ =	swait.ge [sflag:s30], $0x2000  }
0xbd: {  	s0 =	sshra.s32 @!p0 s31, $0x2;
	s10 =	simm.s32 @!p0 $0x17E80;
	[sflag:s30] =	ssyncset.done $0x0  }
0xbe: {  	s13 =	sadd.s32 @!p0 $0x14480, s0;
	s14 =	simm.s32 @!p0 $0x40;
	[sflag:s30] =	ssyncadd.s32 $0xFFFFE000  }
0xbf: {  	[tilespmem:s10], [sflag:$0x1] =	stream.indirect.gather @!p0 [hbm4b:s1+s14], $0x80, s13, s14, $0xb8;
	[tilespmem:$0x1FE80] =	vst v63  }
0xc0: {  	_ =	swait.ge [sflag:s28], $0x2000  }
0xc1: {  	[sflag:s28] =	ssyncset.done $0x0  }
0xc2: {  	s15 =	sadd.s32 $0x15780, s9;
	[sflag:s28] =	ssyncadd.s32 $0xFFFFE000  }
0xc3: {  	[spmem:s3] =	stream.indirect.scatter.add.f32 [tilespmem:s26], [sflag:$0x2], $0x80, s15, s22, $0xb8;
	[tilespmem:$0x1FE80] =	vst v63  }
0xc4: {  	s16 =	sadd.s32 $0x16B80, s9  }
0xc5: {  	[spmem:s4] =	stream.indirect.scatter.add.f32 [tilespmem:s16], [sflag:$0x3], $0x1, s15, s22, $0xb8;
	[tilespmem:$0x1FE80] =	vst v63  }
0xc6: {  	_ =	swait.ge [sflag:s17], $0x40  }
0xc7: {  	[sflag:s17] =	ssyncset.done $0x0  }
0xc8: {  	[sflag:s17] =	ssyncadd.s32 $0xFFFFFFC0  }
0xc9: {  	_ =	swait.ge [sflag:s30], $0x2000  }
0xca: {  	[sflag:s30] =	ssyncset.done $0x0  }
0xcb: {  	s0 =	sadd.s32 @!p0 $0x14500, s0;
	s10 =	simm.s32 @!p0 $0x19E80;
	[sflag:s30] =	ssyncadd.s32 $0xFFFFE000  }
0xcc: {  	[tilespmem:s10], [sflag:$0x1] =	stream.indirect.gather @!p0 [hbm4b:s1+s14], $0x80, s0, s14, $0xb8;
	[tilespmem:$0x1FE80] =	vst v63  }
0xcd: {  	_ =	swait.ge [sflag:s28], $0x2000  }
0xce: {  	[sflag:s28] =	ssyncset.done $0x0  }
0xcf: {  	s31 =	sadd.s32 $0x15800, s9;
	[sflag:s28] =	ssyncadd.s32 $0xFFFFE000  }
0xd0: {  	[spmem:s3] =	stream.indirect.scatter.add.f32 [tilespmem:s29], [sflag:$0x2], $0x80, s31, s22, $0xb8;
	[tilespmem:$0x1FE80] =	vst v63  }
0xd1: {  	s9 =	sadd.s32 $0x16C00, s9  }
0xd2: {  	[spmem:s4] =	stream.indirect.scatter.add.f32 [tilespmem:s9], [sflag:$0x3], $0x1, s31, s22, $0xb8;
	[tilespmem:$0x1FE80] =	vst v63  }
0xd3: {  	_ =	swait.ge [sflag:s17], $0x40  }
0xd4: {  	[sflag:s17] =	ssyncset.done $0x0  }
0xd5: {  	s5 =	sadd.s32 $0x1, s5;
	[sflag:s17] =	ssyncadd.s32 $0xFFFFFFC0  }
0xd6: {  	p0 =	sne.s32 s5, $0x4;
	_ =	swait.ge [sflag:s30], $0x2000  }
.Ltmp1:
0xd7: {  	[sflag:s30] =	ssyncset.done $0x0;
	(pc) =	sbr.rel @p0 .LBB2_2-.Ltmp1, $4  }
0xd8: {  	[sflag:s30] =	ssyncadd.s32 $0xFFFFE000  }
0xd9: {  	_ =	swait.ge [sflag:s30], $0x2000  }
0xda: {  	[sflag:s30] =	ssyncset.done $0x0  }
0xdb: {  	[sflag:s30] =	ssyncadd.s32 $0xFFFFE000  }
0xdc: {  	[bflag:$0x0] =	sbarrier.arrive $0xFFFF  }
0xdd: {  	s0 =	rddreg [dreg:$0x8]  }
0xde: {  	[hbm:s0], [sflag:s12] =	dma.local [spmem:s18], $0x2800  }
0xdf: {  	s5 =	smov.u32 s18;
	_ =	swait.ge [sflag:s17], $0x2800  }
0xe0: {  	s10 =	simm.s32 $0x20;
	[sflag:s17] =	ssyncset.done $0x0;
	s18 =	rddreg [dreg:$0x9]  }
0xe1: {  	s13 =	simm.s32 $0x10;
	s9 =	rddreg [dreg:$0xb];
	[sflag:s17] =	ssyncadd.s32 $0xFFFFD800  }
0xe2: {  	[hbm:s18@s10], [sflag:s12] =	dma.strided [spmem:s9@s13], $0x50, s28, $0x10   }
0xe3: {  	_ =	swait.ge [sflag:s17], $0x50  }
0xe4: {  	s6 =	sadd.s32 $0x1, s6;
	s31 =	rddreg [dreg:$0xa]  }
0xe5: {  	p0 =	sne.s32 s6, s31  }
.Ltmp2:
0xe6: {  	_ = 	snop;
	(pc) =	sbr.rel @p0 .LBB2_1-.Ltmp2, $3  }
0xe7: {  	_ =	sdelay $0x1  }
0xe8: {  	[sflag:s17] =	ssyncset.done $0x0  }
0xe9: {  	[sflag:s17] =	ssyncadd.s32 $0xFFFFFFB0  }
0xea: {  	_ =	sfence.sel $0x180000  }
0xeb: {  	[bflag:$0x0] =	sbarrier.arrive $0xFFFF  }
0xec: {  	_ =	strace $0x90000047  }
0xed: {  	s0 =	stileid.u32;
	[bflag:$0x2] =	sbarrier.arrive $0xFFFF  }
0xee: {  	p0 =	sne.s32 s0, $0x0;
	s0 =	rddreg [dreg:$0x5]  }
0xef: {  	s0 =	sadd.s32 @!p0 $0x100000, s0  }
0xf0: {  	[sflag:s0] =	ssyncadd.tile.s32 @!p0 $0x1;
	_ =	shalt  }
.Lfunc_end2:
_tile_overlayer_lowered:
.L_overlay_start_2:
0xf1: {  	(tag) =	ssettag $0x2  }
0xf2: {  	s0 =	rddreg [dreg:$0x0];
	s2 =	stileid.u32  }
0xf3: {  	s1 =	rddreg [dreg:$0x1];
	p0 =	sne.s32 s2, $0x0  }
0xf4: {  	s3 =	rddreg [dreg:$0x2];
	[bflag:$0x3] =	sbarrier.arrive $0xFFFF;
	s2 =	simm.s32 @!p0 $0x1C03  }
0xf5: {  	[timem:s3], [sflag:s2] =	dma.local @!p0 [hbm:s0], s1  }
0xf6: {  	s0 =	simm.s32 @!p0 $0x3  }
0xf7: {  	_ =	swait.ge @!p0 [sflag:s0], s1  }
0xf8: {  	s1 =	ssub.s32 @!p0 $0x0, s1;
	[sflag:s0] =	ssyncset.done @!p0 $0x0  }
0xf9: {  	[sflag:s0] =	ssyncadd.s32 @!p0 s1  }
0xfa: {  	[bflag:$0x3] =	sbarrier.arrive $0xFFFF  }
0xfb: {  	_ =	shalt  }

</sc_bundles>
